<compile_context>
chip_gen: v7x
topology: tpu7x:2x2x1
jax: 0.10.2.dev20260603
libtpu: 0.0.44.dev20260713+nightly
codegen_flags: <defaults>
</compile_context>

<pallas_src>
import functools

import jax
import jax.numpy as jnp
from jax import lax
from jax.experimental import pallas as pl
from jax.experimental.pallas import tpu as pltpu
from jax.experimental.pallas import tpu_sc as plsc

N = 65536
D = 128
NT = 32
NCT = 64

L = 16
NC = 2
NS = 16
NW = NC * NS
NPW = N // NW
C = 128
NCHUNKS = NPW // C
NSLOT = 4

B = 2048
NBLK = N // B

_mesh = plsc.VectorSubcoreMesh(core_axis_name="c", subcore_axis_name="s")


@functools.partial(
    pl.kernel,
    mesh=_mesh,
    out_type=jax.ShapeDtypeStruct((N, D), jnp.float32),
    compiler_params=pltpu.CompilerParams(needs_layout_passes=False),
    scratch_types=[
        pltpu.VMEM((NPW,), jnp.int32),
        pltpu.VMEM((NPW,), jnp.int32),
        pltpu.VMEM((NPW,), jnp.int32),
        pltpu.VMEM((NSLOT, C, D), jnp.float32),
        pltpu.SemaphoreType.DMA,
    ] + [pltpu.SemaphoreType.DMA] * NSLOT
      + [pltpu.SemaphoreType.DMA] * NSLOT,
)
def _sc_scalar(nt_hbm, cid_hbm, comb_hbm, s_hbm,
               nt_v, cid_v, idx_v, s_buf, sem_in, *sems):
    gsems, osems = sems[:NSLOT], sems[NSLOT:]
    wid = lax.axis_index("s") * NC + lax.axis_index("c")
    base = wid * NPW

    copies = [
        pltpu.async_copy(nt_hbm.at[pl.ds(base, NPW)], nt_v, sem_in),
        pltpu.async_copy(cid_hbm.at[pl.ds(base, NPW)], cid_v, sem_in),
    ]
    for cp in copies:
        cp.wait()

    @plsc.parallel_loop(0, NPW // L, 1)
    def idx_body(q):
        qb = q * L
        idx_v[pl.ds(qb, L)] = nt_v[pl.ds(qb, L)] * NCT + cid_v[pl.ds(qb, L)]

    def gather(g, b):
        return pltpu.make_async_copy(
            comb_hbm.at[idx_v.at[pl.ds(g * C, C)]], s_buf.at[b], gsems[b])

    def out(g, b):
        return pltpu.make_async_copy(
            s_buf.at[b], s_hbm.at[pl.ds(base + g * C, C)], osems[b])

    def substep(g, b):
        @pl.when(jnp.logical_and(g >= NSLOT, g - NSLOT < NCHUNKS))
        def _():
            out(g - NSLOT, b).wait()

        @pl.when(g < NCHUNKS)
        def _():
            gather(g, b).start()

        g2 = g - 2
        b2 = (b + NSLOT - 2) % NSLOT

        @pl.when(jnp.logical_and(g2 >= 0, g2 < NCHUNKS))
        def _():
            gather(g2, b2).wait()
            out(g2, b2).start()

    def ring_body(h, carry):
        for sub in range(NSLOT):
            substep(h * NSLOT + sub, sub)
        return carry

    lax.fori_loop(0, (NCHUNKS + NSLOT) // NSLOT + 1, ring_body, 0)


def _tc_vector_body(nt_ref, rot_ref, tvp_ref, vout_ref):
    nt = nt_ref[0]
    iota = lax.broadcasted_iota(jnp.int32, (NT, B), 0)
    oh = jnp.where(iota == nt, 1.0, 0.0).astype(jnp.float32)
    vp = lax.dot_general(oh, tvp_ref[...],
                         dimension_numbers=(((0,), (0,)), ((), ())),
                         preferred_element_type=jnp.float32)
    e = (lax.broadcasted_iota(jnp.int32, (9, 9 * D), 0)
         == lax.broadcasted_iota(jnp.int32, (9, 9 * D), 1) // D
         ).astype(jnp.float32)
    rb = lax.dot_general(rot_ref[...], e,
                         dimension_numbers=(((0,), (0,)), ((), ())),
                         preferred_element_type=jnp.float32)
    for i in range(3):
        o = (rb[:, (3 * i + 0) * D:(3 * i + 1) * D] * vp[:, 0 * D:1 * D]
             + rb[:, (3 * i + 1) * D:(3 * i + 2) * D] * vp[:, 1 * D:2 * D]
             + rb[:, (3 * i + 2) * D:(3 * i + 3) * D] * vp[:, 2 * D:3 * D])
        vout_ref[i] = o


_tc_vector = pl.pallas_call(
    _tc_vector_body,
    grid=(NBLK,),
    in_specs=[
        pl.BlockSpec((1, 1, B), lambda nb: (nb, 0, 0)),
        pl.BlockSpec((9, B), lambda nb: (0, nb)),
        pl.BlockSpec((NT, 3 * D), lambda nb: (0, 0)),
    ],
    out_specs=pl.BlockSpec((3, B, D), lambda nb: (0, nb, 0)),
    out_shape=jax.ShapeDtypeStruct((3, N, D), jnp.float32),
)


def kernel(node_type, rotmat, chain_id, type2scalar, type2vec, chain2scalar):
    nt = node_type.astype(jnp.int32)
    cid = chain_id.astype(jnp.int32)
    rotp = rotmat.transpose(1, 2, 0).reshape(9, N)
    comb = (type2scalar[:, None, :] + chain2scalar[None, :, :]).reshape(
        NT * NCT, D)
    tvp = type2vec.reshape(NT, D, 3).transpose(0, 2, 1).reshape(NT, 3 * D)
    s_out = _sc_scalar(nt, cid, comb)
    v_out = _tc_vector(nt.reshape(NBLK, 1, B), rotp, tvp)
    return s_out, v_out.transpose(1, 2, 0)

# --- scband reference (transcript-rebuilt; emitter-appended) ---
"""Pipeline reference for scband-node-type-embedding-833223656430 (READ-ONLY COPY).

The authoritative reference and input builder live on the scoring server;
editing this copy changes nothing except your own understanding.
"""

import jax, jax.numpy as jnp
import numpy as np

N = 65536
D = 128
N_NODE_TYPE = 32
N_CHAIN_TYPE = 64


def setup_inputs(seed: int = 0) -> dict:
    key = jax.random.key(seed)
    k1, k2, k3, k4, k5, k6 = jax.random.split(key, 6)
    node_type = jax.random.randint(k1, (N,), 0, N_NODE_TYPE)
    rotmat = jax.random.normal(k2, (N, 3, 3), dtype=jnp.float32)
    chain_id = jax.random.randint(k3, (N,), 0, N_CHAIN_TYPE)
    type2scalar = jax.random.normal(k4, (N_NODE_TYPE, D), dtype=jnp.float32) * 0.02
    type2vec = jax.random.normal(k5, (N_NODE_TYPE, 3 * D), dtype=jnp.float32) * 0.02
    chain2scalar = jax.random.normal(k6, (N_CHAIN_TYPE, D), dtype=jnp.float32) * 0.02
    return {
        "node_type": node_type,
        "rotmat": rotmat,
        "chain_id": chain_id,
        "type2scalar": type2scalar,
        "type2vec": type2vec,
        "chain2scalar": chain2scalar,
    }


def reference(node_type, rotmat, chain_id, type2scalar, type2vec, chain2scalar):
    # mask_node_type=False, dropout=0.0 -> identity dropout
    # scalar channel: type embedding + chain embedding (two gathers + add)
    s = jnp.take(type2scalar, node_type, axis=0) + jnp.take(chain2scalar, chain_id, axis=0)
    # vector channel: gather [N, 3*D] then reshape to [N, D, 3]
    v = jnp.take(type2vec, node_type, axis=0).reshape(node_type.shape + (-1, 3))
    # IrrepTensor.rotate: scalars invariant; vectors rotated per-node by rotmat
    v_rot = jnp.einsum('...ij,...dj->...di', rotmat, v)
    return (s, v_rot)

if __name__ == "__main__":
    import jax
    _d = setup_inputs()
    print(jax.jit(kernel)(*tuple(_d.values())))

</pallas_src>

<mosaic_0001>
#map = affine_map<(d0, d1) -> (0)>
#map1 = affine_map<(d0, d1) -> (0, 0)>
module attributes {stable_mosaic.version = 14 : i64} {
  func.func @_sc_scalar(%arg0: i32, %arg1: i32, %arg2: memref<65536xi32, #tpu.memory_space<hbm>>, %arg3: memref<65536xi32, #tpu.memory_space<hbm>>, %arg4: memref<2048x128xf32, #tpu.memory_space<hbm>>, %arg5: memref<65536x128xf32, #tpu.memory_space<hbm>>, %arg6: memref<2048xi32, #tpu.memory_space<vmem>>, %arg7: memref<2048xi32, #tpu.memory_space<vmem>>, %arg8: memref<2048xi32, #tpu.memory_space<vmem>>, %arg9: memref<4x128x128xf32, #tpu.memory_space<vmem>>, %arg10: memref<!tpu.dma_semaphore, #tpu.memory_space<semaphore_mem>>, %arg11: memref<!tpu.dma_semaphore, #tpu.memory_space<semaphore_mem>>, %arg12: memref<!tpu.dma_semaphore, #tpu.memory_space<semaphore_mem>>, %arg13: memref<!tpu.dma_semaphore, #tpu.memory_space<semaphore_mem>>, %arg14: memref<!tpu.dma_semaphore, #tpu.memory_space<semaphore_mem>>, %arg15: memref<!tpu.dma_semaphore, #tpu.memory_space<semaphore_mem>>, %arg16: memref<!tpu.dma_semaphore, #tpu.memory_space<semaphore_mem>>, %arg17: memref<!tpu.dma_semaphore, #tpu.memory_space<semaphore_mem>>, %arg18: memref<!tpu.dma_semaphore, #tpu.memory_space<semaphore_mem>>) attributes {dimension_semantics = [#tpu.dimension_semantics<core_parallel>, #tpu.dimension_semantics<subcore_parallel>], iteration_bounds = array<i64: 2, 16>, scalar_prefetch = 0 : i64, scratch_operands = 13 : i64, tpu.core_type = #tpu.core_type<sc_vector_subcore>, window_params = [{transform_indices = #map}, {transform_indices = #map}, {transform_indices = #map1}, {transform_indices = #map1}]} {
    %mul3A = arith.constant 2 : i32
    %mul3A_0 = arith.muli %arg1, %mul3A : i32
    %add3A = arith.addi %mul3A_0, %arg0 : i32
    %mul3A_1 = arith.constant 2048 : i32
    %mul3A_2 = arith.muli %add3A, %mul3A_1 : i32
    %dma_start3A = tpu.memref_slice %arg2[%mul3A_2] : memref<65536xi32, #tpu.memory_space<hbm>> -> memref<2048xi32, #tpu.memory_space<hbm>>
    %dma_start3A_3 = tpu.memref_slice %arg2[%mul3A_2] : memref<65536xi32, #tpu.memory_space<hbm>> -> memref<2048xi32, #tpu.memory_space<hbm>>
    tpu.enqueue_dma source(%dma_start3A_3 : memref<2048xi32, #tpu.memory_space<hbm>>) target(%arg6 : memref<2048xi32, #tpu.memory_space<vmem>>) target_semaphore(%arg10 : memref<!tpu.dma_semaphore, #tpu.memory_space<semaphore_mem>>)
    %dma_start3A_4 = tpu.memref_slice %arg3[%mul3A_2] : memref<65536xi32, #tpu.memory_space<hbm>> -> memref<2048xi32, #tpu.memory_space<hbm>>
    %dma_start3A_5 = tpu.memref_slice %arg3[%mul3A_2] : memref<65536xi32, #tpu.memory_space<hbm>> -> memref<2048xi32, #tpu.memory_space<hbm>>
    tpu.enqueue_dma source(%dma_start3A_5 : memref<2048xi32, #tpu.memory_space<hbm>>) target(%arg7 : memref<2048xi32, #tpu.memory_space<vmem>>) target_semaphore(%arg10 : memref<!tpu.dma_semaphore, #tpu.memory_space<semaphore_mem>>)
    %dma_wait3A = tpu.memref_slice %arg2[%mul3A_2] : memref<65536xi32, #tpu.memory_space<hbm>> -> memref<2048xi32, #tpu.memory_space<hbm>>
    %dma_wait3A_6 = tpu.memref_slice %arg2[%mul3A_2] : memref<65536xi32, #tpu.memory_space<hbm>> -> memref<2048xi32, #tpu.memory_space<hbm>>
    tpu.wait_dma2 semaphore(%arg10 : memref<!tpu.dma_semaphore, #tpu.memory_space<semaphore_mem>>) src(%dma_wait3A_6 : memref<2048xi32, #tpu.memory_space<hbm>>) dst(%arg6 : memref<2048xi32, #tpu.memory_space<vmem>>)
    %dma_wait3A_7 = tpu.memref_slice %arg3[%mul3A_2] : memref<65536xi32, #tpu.memory_space<hbm>> -> memref<2048xi32, #tpu.memory_space<hbm>>
    %dma_wait3A_8 = tpu.memref_slice %arg3[%mul3A_2] : memref<65536xi32, #tpu.memory_space<hbm>> -> memref<2048xi32, #tpu.memory_space<hbm>>
    tpu.wait_dma2 semaphore(%arg10 : memref<!tpu.dma_semaphore, #tpu.memory_space<semaphore_mem>>) src(%dma_wait3A_8 : memref<2048xi32, #tpu.memory_space<hbm>>) dst(%arg7 : memref<2048xi32, #tpu.memory_space<vmem>>)
    %parallel_loop3A = arith.constant 0 : i32
    %parallel_loop3A_9 = arith.constant 128 : i32
    %parallel_loop3A_10 = arith.constant 1 : i32
    scf.for %parallel_loop3A_16 = %parallel_loop3A to %parallel_loop3A_9 step %parallel_loop3A_10  : i32 {
      %parallel_loop3A_17 = arith.constant 16 : i32
      %parallel_loop3A_18 = arith.muli %parallel_loop3A_16, %parallel_loop3A_17 : i32
      %parallel_loop3A_19 = arith.index_cast %parallel_loop3A_18 : i32 to index
      %parallel_loop3A_20 = tpu.vector_load %arg6[%parallel_loop3A_19] {strides = array<i32>} : memref<2048xi32, #tpu.memory_space<vmem>>, vector<16xi32>,
      %parallel_loop3A_21 = arith.constant 64 : i32
      %parallel_loop3A_22 = vector.broadcast %parallel_loop3A_21 : i32 to vector<16xi32>
      %parallel_loop3A_23 = arith.muli %parallel_loop3A_20, %parallel_loop3A_22 : vector<16xi32>
      %parallel_loop3A_24 = arith.index_cast %parallel_loop3A_18 : i32 to index
      %parallel_loop3A_25 = tpu.vector_load %arg7[%parallel_loop3A_24] {strides = array<i32>} : memref<2048xi32, #tpu.memory_space<vmem>>, vector<16xi32>,
      %parallel_loop3A_26 = arith.addi %parallel_loop3A_23, %parallel_loop3A_25 : vector<16xi32>
      %parallel_loop3A_27 = arith.index_cast %parallel_loop3A_18 : i32 to index
      %parallel_loop3A_28 = tpu.vector_load %arg8[%parallel_loop3A_27] {strides = array<i32>} : memref<2048xi32, #tpu.memory_space<vmem>>, vector<16xi32>,
      tpu.vector_store %arg8[%parallel_loop3A_27], %parallel_loop3A_26 {strides = array<i32>} : memref<2048xi32, #tpu.memory_space<vmem>>, vector<16xi32>,
    } {sc.loop_unroll_factor = 1 : i64, sc.parallel_access}
    %scan3A = arith.constant 0 : i32
    %scan3A_11 = arith.constant 0 : i32
    %scan3A_12 = arith.constant 6 : i32
    %scan3A_13 = arith.addi %scan3A_11, %scan3A_12 : i32
    %scan3A_14 = arith.constant 1 : i32
    scf.for %scan3A_16 = %scan3A_11 to %scan3A_13 step %scan3A_14  : i32 {
      %mul3A_17 = arith.constant 4 : i32
      %mul3A_18 = arith.muli %scan3A_16, %mul3A_17 : i32
      %add3A_19 = arith.constant 0 : i32
      %add3A_20 = arith.addi %mul3A_18, %add3A_19 : i32
      %ge3A = arith.constant 4 : i32
      %ge3A_21 = arith.cmpi sge, %add3A_20, %ge3A : i32
      %sub3A = arith.constant 4 : i32
      %sub3A_22 = arith.subi %add3A_20, %sub3A : i32
      %lt3A = arith.constant 16 : i32
      %lt3A_23 = arith.cmpi slt, %sub3A_22, %lt3A : i32
      %and3A = arith.andi %ge3A_21, %lt3A_23 : i1
      %convert_element_type3A = arith.extui %and3A : i1 to i32
      %cond3A = arith.constant 0 : i32
      %cond3A_24 = arith.cmpi ne, %convert_element_type3A, %cond3A : i32
      scf.if %cond3A_24 {
        %sub3A_127 = arith.constant 4 : i32
        %sub3A_128 = arith.subi %add3A_20, %sub3A_127 : i32
        %mul3A_129 = arith.constant 128 : i32
        %mul3A_130 = arith.muli %sub3A_128, %mul3A_129 : i32
        %add3A_131 = arith.addi %mul3A_2, %mul3A_130 : i32
        %dma_wait3A_132 = arith.constant 0 : i32
        %dma_wait3A_133 = arith.constant 0 : i32
        %dma_wait3A_134 = arith.constant 0 : i32
        %dma_wait3A_135 = tpu.memref_slice %arg9[%dma_wait3A_132, %dma_wait3A_133, %dma_wait3A_134] : memref<4x128x128xf32, #tpu.memory_space<vmem>> -> memref<1x128x128xf32, #tpu.memory_space<vmem>>
        %dma_wait3A_136 = tpu.memref_squeeze %dma_wait3A_135 : memref<1x128x128xf32, #tpu.memory_space<vmem>> -> memref<128x128xf32, #tpu.memory_space<vmem>>
        %dma_wait3A_137 = arith.constant 0 : i32
        %dma_wait3A_138 = tpu.memref_slice %arg5[%add3A_131, %dma_wait3A_137] : memref<65536x128xf32, #tpu.memory_space<hbm>> -> memref<128x128xf32, #tpu.memory_space<hbm>>
        %dma_wait3A_139 = arith.constant 0 : i32
        %dma_wait3A_140 = tpu.memref_slice %arg5[%add3A_131, %dma_wait3A_139] : memref<65536x128xf32, #tpu.memory_space<hbm>> -> memref<128x128xf32, #tpu.memory_space<hbm>>
        %dma_wait3A_141 = arith.constant 0 : i32
        %dma_wait3A_142 = arith.constant 0 : i32
        %dma_wait3A_143 = tpu.memref_slice %arg9[%dma_wait3A_132, %dma_wait3A_141, %dma_wait3A_142] : memref<4x128x128xf32, #tpu.memory_space<vmem>> -> memref<1x128x128xf32, #tpu.memory_space<vmem>>
        %dma_wait3A_144 = tpu.memref_squeeze %dma_wait3A_143 : memref<1x128x128xf32, #tpu.memory_space<vmem>> -> memref<128x128xf32, #tpu.memory_space<vmem>>
        tpu.wait_dma2 semaphore(%arg15 : memref<!tpu.dma_semaphore, #tpu.memory_space<semaphore_mem>>) src(%dma_wait3A_144 : memref<128x128xf32, #tpu.memory_space<vmem>>) dst(%dma_wait3A_140 : memref<128x128xf32, #tpu.memory_space<hbm>>)
      } else {
      }
      %lt3A_25 = arith.constant 16 : i32
      %lt3A_26 = arith.cmpi slt, %add3A_20, %lt3A_25 : i32
      %convert_element_type3A_27 = arith.extui %lt3A_26 : i1 to i32
      %cond3A_28 = arith.constant 0 : i32
      %cond3A_29 = arith.cmpi ne, %convert_element_type3A_27, %cond3A_28 : i32
      scf.if %cond3A_29 {
        %mul3A_127 = arith.constant 128 : i32
        %mul3A_128 = arith.muli %add3A_20, %mul3A_127 : i32
        %dma_start3A_129 = arith.constant 0 : i32
        %dma_start3A_130 = arith.constant 0 : i32
        %dma_start3A_131 = arith.constant 0 : i32
        %dma_start3A_132 = tpu.memref_slice %arg9[%dma_start3A_129, %dma_start3A_130, %dma_start3A_131] : memref<4x128x128xf32, #tpu.memory_space<vmem>> -> memref<1x128x128xf32, #tpu.memory_space<vmem>>
        %dma_start3A_133 = tpu.memref_squeeze %dma_start3A_132 : memref<1x128x128xf32, #tpu.memory_space<vmem>> -> memref<128x128xf32, #tpu.memory_space<vmem>>
        %dma_start3A_134 = tpu.memref_slice %arg8[%mul3A_128] : memref<2048xi32, #tpu.memory_space<vmem>> -> memref<128xi32, #tpu.memory_space<vmem>>
        %dma_start3A_135 = arith.constant 0 : i32
        %dma_start3A_136 = arith.constant 0 : i32
        %dma_start3A_137 = tpu.memref_slice %arg4[%dma_start3A_135, %dma_start3A_136] : memref<2048x128xf32, #tpu.memory_space<hbm>> -> memref<2048x128xf32, #tpu.memory_space<hbm>>
        tpu.enqueue_indirect_dma source(%dma_start3A_137 : memref<2048x128xf32, #tpu.memory_space<hbm>>) target(%dma_start3A_133 : memref<128x128xf32, #tpu.memory_space<vmem>>) offsets(%dma_start3A_134 : memref<128xi32, #tpu.memory_space<vmem>>) semaphore(%arg11 : memref<!tpu.dma_semaphore, #tpu.memory_space<semaphore_mem>>)
      } else {
      }
      %sub3A_30 = arith.constant 2 : i32
      %sub3A_31 = arith.subi %add3A_20, %sub3A_30 : i32
      %ge3A_32 = arith.constant 0 : i32
      %ge3A_33 = arith.cmpi sge, %sub3A_31, %ge3A_32 : i32
      %lt3A_34 = arith.constant 16 : i32
      %lt3A_35 = arith.cmpi slt, %sub3A_31, %lt3A_34 : i32
      %and3A_36 = arith.andi %ge3A_33, %lt3A_35 : i1
      %convert_element_type3A_37 = arith.extui %and3A_36 : i1 to i32
      %cond3A_38 = arith.constant 0 : i32
      %cond3A_39 = arith.cmpi ne, %convert_element_type3A_37, %cond3A_38 : i32
      scf.if %cond3A_39 {
        %mul3A_127 = arith.constant 128 : i32
        %mul3A_128 = arith.muli %sub3A_31, %mul3A_127 : i32
        %dma_wait3A_129 = arith.constant 2 : i32
        %dma_wait3A_130 = arith.constant 0 : i32
        %dma_wait3A_131 = arith.constant 0 : i32
        %dma_wait3A_132 = tpu.memref_slice %arg9[%dma_wait3A_129, %dma_wait3A_130, %dma_wait3A_131] : memref<4x128x128xf32, #tpu.memory_space<vmem>> -> memref<1x128x128xf32, #tpu.memory_space<vmem>>
        %dma_wait3A_133 = tpu.memref_squeeze %dma_wait3A_132 : memref<1x128x128xf32, #tpu.memory_space<vmem>> -> memref<128x128xf32, #tpu.memory_space<vmem>>
        %dma_wait3A_134 = tpu.memref_slice %arg8[%mul3A_128] : memref<2048xi32, #tpu.memory_space<vmem>> -> memref<128xi32, #tpu.memory_space<vmem>>
        %dma_wait3A_135 = arith.constant 0 : i32
        %dma_wait3A_136 = arith.constant 0 : i32
        %dma_wait3A_137 = tpu.memref_slice %arg4[%dma_wait3A_135, %dma_wait3A_136] : memref<2048x128xf32, #tpu.memory_space<hbm>> -> memref<2048x128xf32, #tpu.memory_space<hbm>>
        tpu.wait_indirect_dma semaphore(%arg13 : memref<!tpu.dma_semaphore, #tpu.memory_space<semaphore_mem>>) src(%dma_wait3A_137 : memref<2048x128xf32, #tpu.memory_space<hbm>>) dst(%dma_wait3A_133 : memref<128x128xf32, #tpu.memory_space<vmem>>)
        %mul3A_138 = arith.constant 128 : i32
        %mul3A_139 = arith.muli %sub3A_31, %mul3A_138 : i32
        %add3A_140 = arith.addi %mul3A_2, %mul3A_139 : i32
        %dma_start3A_141 = arith.constant 2 : i32
        %dma_start3A_142 = arith.constant 0 : i32
        %dma_start3A_143 = arith.constant 0 : i32
        %dma_start3A_144 = tpu.memref_slice %arg9[%dma_start3A_141, %dma_start3A_142, %dma_start3A_143] : memref<4x128x128xf32, #tpu.memory_space<vmem>> -> memref<1x128x128xf32, #tpu.memory_space<vmem>>
        %dma_start3A_145 = tpu.memref_squeeze %dma_start3A_144 : memref<1x128x128xf32, #tpu.memory_space<vmem>> -> memref<128x128xf32, #tpu.memory_space<vmem>>
        %dma_start3A_146 = arith.constant 0 : i32
        %dma_start3A_147 = tpu.memref_slice %arg5[%add3A_140, %dma_start3A_146] : memref<65536x128xf32, #tpu.memory_space<hbm>> -> memref<128x128xf32, #tpu.memory_space<hbm>>
        %dma_start3A_148 = arith.constant 0 : i32
        %dma_start3A_149 = tpu.memref_slice %arg5[%add3A_140, %dma_start3A_148] : memref<65536x128xf32, #tpu.memory_space<hbm>> -> memref<128x128xf32, #tpu.memory_space<hbm>>
        %dma_start3A_150 = arith.constant 0 : i32
        %dma_start3A_151 = arith.constant 0 : i32
        %dma_start3A_152 = tpu.memref_slice %arg9[%dma_start3A_141, %dma_start3A_150, %dma_start3A_151] : memref<4x128x128xf32, #tpu.memory_space<vmem>> -> memref<1x128x128xf32, #tpu.memory_space<vmem>>
        %dma_start3A_153 = tpu.memref_squeeze %dma_start3A_152 : memref<1x128x128xf32, #tpu.memory_space<vmem>> -> memref<128x128xf32, #tpu.memory_space<vmem>>
        tpu.enqueue_dma source(%dma_start3A_153 : memref<128x128xf32, #tpu.memory_space<vmem>>) target(%dma_start3A_149 : memref<128x128xf32, #tpu.memory_space<hbm>>) target_semaphore(%arg17 : memref<!tpu.dma_semaphore, #tpu.memory_space<semaphore_mem>>)
      } else {
      }
      %mul3A_40 = arith.constant 4 : i32
      %mul3A_41 = arith.muli %scan3A_16, %mul3A_40 : i32
      %add3A_42 = arith.constant 1 : i32
      %add3A_43 = arith.addi %mul3A_41, %add3A_42 : i32
      %ge3A_44 = arith.constant 4 : i32
      %ge3A_45 = arith.cmpi sge, %add3A_43, %ge3A_44 : i32
      %sub3A_46 = arith.constant 4 : i32
      %sub3A_47 = arith.subi %add3A_43, %sub3A_46 : i32
      %lt3A_48 = arith.constant 16 : i32
      %lt3A_49 = arith.cmpi slt, %sub3A_47, %lt3A_48 : i32
      %and3A_50 = arith.andi %ge3A_45, %lt3A_49 : i1
      %convert_element_type3A_51 = arith.extui %and3A_50 : i1 to i32
      %cond3A_52 = arith.constant 0 : i32
      %cond3A_53 = arith.cmpi ne, %convert_element_type3A_51, %cond3A_52 : i32
      scf.if %cond3A_53 {
        %sub3A_127 = arith.constant 4 : i32
        %sub3A_128 = arith.subi %add3A_43, %sub3A_127 : i32
        %mul3A_129 = arith.constant 128 : i32
        %mul3A_130 = arith.muli %sub3A_128, %mul3A_129 : i32
        %add3A_131 = arith.addi %mul3A_2, %mul3A_130 : i32
        %dma_wait3A_132 = arith.constant 1 : i32
        %dma_wait3A_133 = arith.constant 0 : i32
        %dma_wait3A_134 = arith.constant 0 : i32
        %dma_wait3A_135 = tpu.memref_slice %arg9[%dma_wait3A_132, %dma_wait3A_133, %dma_wait3A_134] : memref<4x128x128xf32, #tpu.memory_space<vmem>> -> memref<1x128x128xf32, #tpu.memory_space<vmem>>
        %dma_wait3A_136 = tpu.memref_squeeze %dma_wait3A_135 : memref<1x128x128xf32, #tpu.memory_space<vmem>> -> memref<128x128xf32, #tpu.memory_space<vmem>>
        %dma_wait3A_137 = arith.constant 0 : i32
        %dma_wait3A_138 = tpu.memref_slice %arg5[%add3A_131, %dma_wait3A_137] : memref<65536x128xf32, #tpu.memory_space<hbm>> -> memref<128x128xf32, #tpu.memory_space<hbm>>
        %dma_wait3A_139 = arith.constant 0 : i32
        %dma_wait3A_140 = tpu.memref_slice %arg5[%add3A_131, %dma_wait3A_139] : memref<65536x128xf32, #tpu.memory_space<hbm>> -> memref<128x128xf32, #tpu.memory_space<hbm>>
        %dma_wait3A_141 = arith.constant 0 : i32
        %dma_wait3A_142 = arith.constant 0 : i32
        %dma_wait3A_143 = tpu.memref_slice %arg9[%dma_wait3A_132, %dma_wait3A_141, %dma_wait3A_142] : memref<4x128x128xf32, #tpu.memory_space<vmem>> -> memref<1x128x128xf32, #tpu.memory_space<vmem>>
        %dma_wait3A_144 = tpu.memref_squeeze %dma_wait3A_143 : memref<1x128x128xf32, #tpu.memory_space<vmem>> -> memref<128x128xf32, #tpu.memory_space<vmem>>
        tpu.wait_dma2 semaphore(%arg16 : memref<!tpu.dma_semaphore, #tpu.memory_space<semaphore_mem>>) src(%dma_wait3A_144 : memref<128x128xf32, #tpu.memory_space<vmem>>) dst(%dma_wait3A_140 : memref<128x128xf32, #tpu.memory_space<hbm>>)
      } else {
      }
      %lt3A_54 = arith.constant 16 : i32
      %lt3A_55 = arith.cmpi slt, %add3A_43, %lt3A_54 : i32
      %convert_element_type3A_56 = arith.extui %lt3A_55 : i1 to i32
      %cond3A_57 = arith.constant 0 : i32
      %cond3A_58 = arith.cmpi ne, %convert_element_type3A_56, %cond3A_57 : i32
      scf.if %cond3A_58 {
        %mul3A_127 = arith.constant 128 : i32
        %mul3A_128 = arith.muli %add3A_43, %mul3A_127 : i32
        %dma_start3A_129 = arith.constant 1 : i32
        %dma_start3A_130 = arith.constant 0 : i32
        %dma_start3A_131 = arith.constant 0 : i32
        %dma_start3A_132 = tpu.memref_slice %arg9[%dma_start3A_129, %dma_start3A_130, %dma_start3A_131] : memref<4x128x128xf32, #tpu.memory_space<vmem>> -> memref<1x128x128xf32, #tpu.memory_space<vmem>>
        %dma_start3A_133 = tpu.memref_squeeze %dma_start3A_132 : memref<1x128x128xf32, #tpu.memory_space<vmem>> -> memref<128x128xf32, #tpu.memory_space<vmem>>
        %dma_start3A_134 = tpu.memref_slice %arg8[%mul3A_128] : memref<2048xi32, #tpu.memory_space<vmem>> -> memref<128xi32, #tpu.memory_space<vmem>>
        %dma_start3A_135 = arith.constant 0 : i32
        %dma_start3A_136 = arith.constant 0 : i32
        %dma_start3A_137 = tpu.memref_slice %arg4[%dma_start3A_135, %dma_start3A_136] : memref<2048x128xf32, #tpu.memory_space<hbm>> -> memref<2048x128xf32, #tpu.memory_space<hbm>>
        tpu.enqueue_indirect_dma source(%dma_start3A_137 : memref<2048x128xf32, #tpu.memory_space<hbm>>) target(%dma_start3A_133 : memref<128x128xf32, #tpu.memory_space<vmem>>) offsets(%dma_start3A_134 : memref<128xi32, #tpu.memory_space<vmem>>) semaphore(%arg12 : memref<!tpu.dma_semaphore, #tpu.memory_space<semaphore_mem>>)
      } else {
      }
      %sub3A_59 = arith.constant 2 : i32
      %sub3A_60 = arith.subi %add3A_43, %sub3A_59 : i32
      %ge3A_61 = arith.constant 0 : i32
      %ge3A_62 = arith.cmpi sge, %sub3A_60, %ge3A_61 : i32
      %lt3A_63 = arith.constant 16 : i32
      %lt3A_64 = arith.cmpi slt, %sub3A_60, %lt3A_63 : i32
      %and3A_65 = arith.andi %ge3A_62, %lt3A_64 : i1
      %convert_element_type3A_66 = arith.extui %and3A_65 : i1 to i32
      %cond3A_67 = arith.constant 0 : i32
      %cond3A_68 = arith.cmpi ne, %convert_element_type3A_66, %cond3A_67 : i32
      scf.if %cond3A_68 {
        %mul3A_127 = arith.constant 128 : i32
        %mul3A_128 = arith.muli %sub3A_60, %mul3A_127 : i32
        %dma_wait3A_129 = arith.constant 3 : i32
        %dma_wait3A_130 = arith.constant 0 : i32
        %dma_wait3A_131 = arith.constant 0 : i32
        %dma_wait3A_132 = tpu.memref_slice %arg9[%dma_wait3A_129, %dma_wait3A_130, %dma_wait3A_131] : memref<4x128x128xf32, #tpu.memory_space<vmem>> -> memref<1x128x128xf32, #tpu.memory_space<vmem>>
        %dma_wait3A_133 = tpu.memref_squeeze %dma_wait3A_132 : memref<1x128x128xf32, #tpu.memory_space<vmem>> -> memref<128x128xf32, #tpu.memory_space<vmem>>
        %dma_wait3A_134 = tpu.memref_slice %arg8[%mul3A_128] : memref<2048xi32, #tpu.memory_space<vmem>> -> memref<128xi32, #tpu.memory_space<vmem>>
        %dma_wait3A_135 = arith.constant 0 : i32
        %dma_wait3A_136 = arith.constant 0 : i32
        %dma_wait3A_137 = tpu.memref_slice %arg4[%dma_wait3A_135, %dma_wait3A_136] : memref<2048x128xf32, #tpu.memory_space<hbm>> -> memref<2048x128xf32, #tpu.memory_space<hbm>>
        tpu.wait_indirect_dma semaphore(%arg14 : memref<!tpu.dma_semaphore, #tpu.memory_space<semaphore_mem>>) src(%dma_wait3A_137 : memref<2048x128xf32, #tpu.memory_space<hbm>>) dst(%dma_wait3A_133 : memref<128x128xf32, #tpu.memory_space<vmem>>)
        %mul3A_138 = arith.constant 128 : i32
        %mul3A_139 = arith.muli %sub3A_60, %mul3A_138 : i32
        %add3A_140 = arith.addi %mul3A_2, %mul3A_139 : i32
        %dma_start3A_141 = arith.constant 3 : i32
        %dma_start3A_142 = arith.constant 0 : i32
        %dma_start3A_143 = arith.constant 0 : i32
        %dma_start3A_144 = tpu.memref_slice %arg9[%dma_start3A_141, %dma_start3A_142, %dma_start3A_143] : memref<4x128x128xf32, #tpu.memory_space<vmem>> -> memref<1x128x128xf32, #tpu.memory_space<vmem>>
        %dma_start3A_145 = tpu.memref_squeeze %dma_start3A_144 : memref<1x128x128xf32, #tpu.memory_space<vmem>> -> memref<128x128xf32, #tpu.memory_space<vmem>>
        %dma_start3A_146 = arith.constant 0 : i32
        %dma_start3A_147 = tpu.memref_slice %arg5[%add3A_140, %dma_start3A_146] : memref<65536x128xf32, #tpu.memory_space<hbm>> -> memref<128x128xf32, #tpu.memory_space<hbm>>
        %dma_start3A_148 = arith.constant 0 : i32
        %dma_start3A_149 = tpu.memref_slice %arg5[%add3A_140, %dma_start3A_148] : memref<65536x128xf32, #tpu.memory_space<hbm>> -> memref<128x128xf32, #tpu.memory_space<hbm>>
        %dma_start3A_150 = arith.constant 0 : i32
        %dma_start3A_151 = arith.constant 0 : i32
        %dma_start3A_152 = tpu.memref_slice %arg9[%dma_start3A_141, %dma_start3A_150, %dma_start3A_151] : memref<4x128x128xf32, #tpu.memory_space<vmem>> -> memref<1x128x128xf32, #tpu.memory_space<vmem>>
        %dma_start3A_153 = tpu.memref_squeeze %dma_start3A_152 : memref<1x128x128xf32, #tpu.memory_space<vmem>> -> memref<128x128xf32, #tpu.memory_space<vmem>>
        tpu.enqueue_dma source(%dma_start3A_153 : memref<128x128xf32, #tpu.memory_space<vmem>>) target(%dma_start3A_149 : memref<128x128xf32, #tpu.memory_space<hbm>>) target_semaphore(%arg18 : memref<!tpu.dma_semaphore, #tpu.memory_space<semaphore_mem>>)
      } else {
      }
      %mul3A_69 = arith.constant 4 : i32
      %mul3A_70 = arith.muli %scan3A_16, %mul3A_69 : i32
      %add3A_71 = arith.constant 2 : i32
      %add3A_72 = arith.addi %mul3A_70, %add3A_71 : i32
      %ge3A_73 = arith.constant 4 : i32
      %ge3A_74 = arith.cmpi sge, %add3A_72, %ge3A_73 : i32
      %sub3A_75 = arith.constant 4 : i32
      %sub3A_76 = arith.subi %add3A_72, %sub3A_75 : i32
      %lt3A_77 = arith.constant 16 : i32
      %lt3A_78 = arith.cmpi slt, %sub3A_76, %lt3A_77 : i32
      %and3A_79 = arith.andi %ge3A_74, %lt3A_78 : i1
      %convert_element_type3A_80 = arith.extui %and3A_79 : i1 to i32
      %cond3A_81 = arith.constant 0 : i32
      %cond3A_82 = arith.cmpi ne, %convert_element_type3A_80, %cond3A_81 : i32
      scf.if %cond3A_82 {
        %sub3A_127 = arith.constant 4 : i32
        %sub3A_128 = arith.subi %add3A_72, %sub3A_127 : i32
        %mul3A_129 = arith.constant 128 : i32
        %mul3A_130 = arith.muli %sub3A_128, %mul3A_129 : i32
        %add3A_131 = arith.addi %mul3A_2, %mul3A_130 : i32
        %dma_wait3A_132 = arith.constant 2 : i32
        %dma_wait3A_133 = arith.constant 0 : i32
        %dma_wait3A_134 = arith.constant 0 : i32
        %dma_wait3A_135 = tpu.memref_slice %arg9[%dma_wait3A_132, %dma_wait3A_133, %dma_wait3A_134] : memref<4x128x128xf32, #tpu.memory_space<vmem>> -> memref<1x128x128xf32, #tpu.memory_space<vmem>>
        %dma_wait3A_136 = tpu.memref_squeeze %dma_wait3A_135 : memref<1x128x128xf32, #tpu.memory_space<vmem>> -> memref<128x128xf32, #tpu.memory_space<vmem>>
        %dma_wait3A_137 = arith.constant 0 : i32
        %dma_wait3A_138 = tpu.memref_slice %arg5[%add3A_131, %dma_wait3A_137] : memref<65536x128xf32, #tpu.memory_space<hbm>> -> memref<128x128xf32, #tpu.memory_space<hbm>>
        %dma_wait3A_139 = arith.constant 0 : i32
        %dma_wait3A_140 = tpu.memref_slice %arg5[%add3A_131, %dma_wait3A_139] : memref<65536x128xf32, #tpu.memory_space<hbm>> -> memref<128x128xf32, #tpu.memory_space<hbm>>
        %dma_wait3A_141 = arith.constant 0 : i32
        %dma_wait3A_142 = arith.constant 0 : i32
        %dma_wait3A_143 = tpu.memref_slice %arg9[%dma_wait3A_132, %dma_wait3A_141, %dma_wait3A_142] : memref<4x128x128xf32, #tpu.memory_space<vmem>> -> memref<1x128x128xf32, #tpu.memory_space<vmem>>
        %dma_wait3A_144 = tpu.memref_squeeze %dma_wait3A_143 : memref<1x128x128xf32, #tpu.memory_space<vmem>> -> memref<128x128xf32, #tpu.memory_space<vmem>>
        tpu.wait_dma2 semaphore(%arg17 : memref<!tpu.dma_semaphore, #tpu.memory_space<semaphore_mem>>) src(%dma_wait3A_144 : memref<128x128xf32, #tpu.memory_space<vmem>>) dst(%dma_wait3A_140 : memref<128x128xf32, #tpu.memory_space<hbm>>)
      } else {
      }
      %lt3A_83 = arith.constant 16 : i32
      %lt3A_84 = arith.cmpi slt, %add3A_72, %lt3A_83 : i32
      %convert_element_type3A_85 = arith.extui %lt3A_84 : i1 to i32
      %cond3A_86 = arith.constant 0 : i32
      %cond3A_87 = arith.cmpi ne, %convert_element_type3A_85, %cond3A_86 : i32
      scf.if %cond3A_87 {
        %mul3A_127 = arith.constant 128 : i32
        %mul3A_128 = arith.muli %add3A_72, %mul3A_127 : i32
        %dma_start3A_129 = arith.constant 2 : i32
        %dma_start3A_130 = arith.constant 0 : i32
        %dma_start3A_131 = arith.constant 0 : i32
        %dma_start3A_132 = tpu.memref_slice %arg9[%dma_start3A_129, %dma_start3A_130, %dma_start3A_131] : memref<4x128x128xf32, #tpu.memory_space<vmem>> -> memref<1x128x128xf32, #tpu.memory_space<vmem>>
        %dma_start3A_133 = tpu.memref_squeeze %dma_start3A_132 : memref<1x128x128xf32, #tpu.memory_space<vmem>> -> memref<128x128xf32, #tpu.memory_space<vmem>>
        %dma_start3A_134 = tpu.memref_slice %arg8[%mul3A_128] : memref<2048xi32, #tpu.memory_space<vmem>> -> memref<128xi32, #tpu.memory_space<vmem>>
        %dma_start3A_135 = arith.constant 0 : i32
        %dma_start3A_136 = arith.constant 0 : i32
        %dma_start3A_137 = tpu.memref_slice %arg4[%dma_start3A_135, %dma_start3A_136] : memref<2048x128xf32, #tpu.memory_space<hbm>> -> memref<2048x128xf32, #tpu.memory_space<hbm>>
        tpu.enqueue_indirect_dma source(%dma_start3A_137 : memref<2048x128xf32, #tpu.memory_space<hbm>>) target(%dma_start3A_133 : memref<128x128xf32, #tpu.memory_space<vmem>>) offsets(%dma_start3A_134 : memref<128xi32, #tpu.memory_space<vmem>>) semaphore(%arg13 : memref<!tpu.dma_semaphore, #tpu.memory_space<semaphore_mem>>)
      } else {
      }
      %sub3A_88 = arith.constant 2 : i32
      %sub3A_89 = arith.subi %add3A_72, %sub3A_88 : i32
      %ge3A_90 = arith.constant 0 : i32
      %ge3A_91 = arith.cmpi sge, %sub3A_89, %ge3A_90 : i32
      %lt3A_92 = arith.constant 16 : i32
      %lt3A_93 = arith.cmpi slt, %sub3A_89, %lt3A_92 : i32
      %and3A_94 = arith.andi %ge3A_91, %lt3A_93 : i1
      %convert_element_type3A_95 = arith.extui %and3A_94 : i1 to i32
      %cond3A_96 = arith.constant 0 : i32
      %cond3A_97 = arith.cmpi ne, %convert_element_type3A_95, %cond3A_96 : i32
      scf.if %cond3A_97 {
        %mul3A_127 = arith.constant 128 : i32
        %mul3A_128 = arith.muli %sub3A_89, %mul3A_127 : i32
        %dma_wait3A_129 = arith.constant 0 : i32
        %dma_wait3A_130 = arith.constant 0 : i32
        %dma_wait3A_131 = arith.constant 0 : i32
        %dma_wait3A_132 = tpu.memref_slice %arg9[%dma_wait3A_129, %dma_wait3A_130, %dma_wait3A_131] : memref<4x128x128xf32, #tpu.memory_space<vmem>> -> memref<1x128x128xf32, #tpu.memory_space<vmem>>
        %dma_wait3A_133 = tpu.memref_squeeze %dma_wait3A_132 : memref<1x128x128xf32, #tpu.memory_space<vmem>> -> memref<128x128xf32, #tpu.memory_space<vmem>>
        %dma_wait3A_134 = tpu.memref_slice %arg8[%mul3A_128] : memref<2048xi32, #tpu.memory_space<vmem>> -> memref<128xi32, #tpu.memory_space<vmem>>
        %dma_wait3A_135 = arith.constant 0 : i32
        %dma_wait3A_136 = arith.constant 0 : i32
        %dma_wait3A_137 = tpu.memref_slice %arg4[%dma_wait3A_135, %dma_wait3A_136] : memref<2048x128xf32, #tpu.memory_space<hbm>> -> memref<2048x128xf32, #tpu.memory_space<hbm>>
        tpu.wait_indirect_dma semaphore(%arg11 : memref<!tpu.dma_semaphore, #tpu.memory_space<semaphore_mem>>) src(%dma_wait3A_137 : memref<2048x128xf32, #tpu.memory_space<hbm>>) dst(%dma_wait3A_133 : memref<128x128xf32, #tpu.memory_space<vmem>>)
        %mul3A_138 = arith.constant 128 : i32
        %mul3A_139 = arith.muli %sub3A_89, %mul3A_138 : i32
        %add3A_140 = arith.addi %mul3A_2, %mul3A_139 : i32
        %dma_start3A_141 = arith.constant 0 : i32
        %dma_start3A_142 = arith.constant 0 : i32
        %dma_start3A_143 = arith.constant 0 : i32
        %dma_start3A_144 = tpu.memref_slice %arg9[%dma_start3A_141, %dma_start3A_142, %dma_start3A_143] : memref<4x128x128xf32, #tpu.memory_space<vmem>> -> memref<1x128x128xf32, #tpu.memory_space<vmem>>
        %dma_start3A_145 = tpu.memref_squeeze %dma_start3A_144 : memref<1x128x128xf32, #tpu.memory_space<vmem>> -> memref<128x128xf32, #tpu.memory_space<vmem>>
        %dma_start3A_146 = arith.constant 0 : i32
        %dma_start3A_147 = tpu.memref_slice %arg5[%add3A_140, %dma_start3A_146] : memref<65536x128xf32, #tpu.memory_space<hbm>> -> memref<128x128xf32, #tpu.memory_space<hbm>>
        %dma_start3A_148 = arith.constant 0 : i32
        %dma_start3A_149 = tpu.memref_slice %arg5[%add3A_140, %dma_start3A_148] : memref<65536x128xf32, #tpu.memory_space<hbm>> -> memref<128x128xf32, #tpu.memory_space<hbm>>
        %dma_start3A_150 = arith.constant 0 : i32
        %dma_start3A_151 = arith.constant 0 : i32
        %dma_start3A_152 = tpu.memref_slice %arg9[%dma_start3A_141, %dma_start3A_150, %dma_start3A_151] : memref<4x128x128xf32, #tpu.memory_space<vmem>> -> memref<1x128x128xf32, #tpu.memory_space<vmem>>
        %dma_start3A_153 = tpu.memref_squeeze %dma_start3A_152 : memref<1x128x128xf32, #tpu.memory_space<vmem>> -> memref<128x128xf32, #tpu.memory_space<vmem>>
        tpu.enqueue_dma source(%dma_start3A_153 : memref<128x128xf32, #tpu.memory_space<vmem>>) target(%dma_start3A_149 : memref<128x128xf32, #tpu.memory_space<hbm>>) target_semaphore(%arg15 : memref<!tpu.dma_semaphore, #tpu.memory_space<semaphore_mem>>)
      } else {
      }
      %mul3A_98 = arith.constant 4 : i32
      %mul3A_99 = arith.muli %scan3A_16, %mul3A_98 : i32
      %add3A_100 = arith.constant 3 : i32
      %add3A_101 = arith.addi %mul3A_99, %add3A_100 : i32
      %ge3A_102 = arith.constant 4 : i32
      %ge3A_103 = arith.cmpi sge, %add3A_101, %ge3A_102 : i32
      %sub3A_104 = arith.constant 4 : i32
      %sub3A_105 = arith.subi %add3A_101, %sub3A_104 : i32
      %lt3A_106 = arith.constant 16 : i32
      %lt3A_107 = arith.cmpi slt, %sub3A_105, %lt3A_106 : i32
      %and3A_108 = arith.andi %ge3A_103, %lt3A_107 : i1
      %convert_element_type3A_109 = arith.extui %and3A_108 : i1 to i32
      %cond3A_110 = arith.constant 0 : i32
      %cond3A_111 = arith.cmpi ne, %convert_element_type3A_109, %cond3A_110 : i32
      scf.if %cond3A_111 {
        %sub3A_127 = arith.constant 4 : i32
        %sub3A_128 = arith.subi %add3A_101, %sub3A_127 : i32
        %mul3A_129 = arith.constant 128 : i32
        %mul3A_130 = arith.muli %sub3A_128, %mul3A_129 : i32
        %add3A_131 = arith.addi %mul3A_2, %mul3A_130 : i32
        %dma_wait3A_132 = arith.constant 3 : i32
        %dma_wait3A_133 = arith.constant 0 : i32
        %dma_wait3A_134 = arith.constant 0 : i32
        %dma_wait3A_135 = tpu.memref_slice %arg9[%dma_wait3A_132, %dma_wait3A_133, %dma_wait3A_134] : memref<4x128x128xf32, #tpu.memory_space<vmem>> -> memref<1x128x128xf32, #tpu.memory_space<vmem>>
        %dma_wait3A_136 = tpu.memref_squeeze %dma_wait3A_135 : memref<1x128x128xf32, #tpu.memory_space<vmem>> -> memref<128x128xf32, #tpu.memory_space<vmem>>
        %dma_wait3A_137 = arith.constant 0 : i32
        %dma_wait3A_138 = tpu.memref_slice %arg5[%add3A_131, %dma_wait3A_137] : memref<65536x128xf32, #tpu.memory_space<hbm>> -> memref<128x128xf32, #tpu.memory_space<hbm>>
        %dma_wait3A_139 = arith.constant 0 : i32
        %dma_wait3A_140 = tpu.memref_slice %arg5[%add3A_131, %dma_wait3A_139] : memref<65536x128xf32, #tpu.memory_space<hbm>> -> memref<128x128xf32, #tpu.memory_space<hbm>>
        %dma_wait3A_141 = arith.constant 0 : i32
        %dma_wait3A_142 = arith.constant 0 : i32
        %dma_wait3A_143 = tpu.memref_slice %arg9[%dma_wait3A_132, %dma_wait3A_141, %dma_wait3A_142] : memref<4x128x128xf32, #tpu.memory_space<vmem>> -> memref<1x128x128xf32, #tpu.memory_space<vmem>>
        %dma_wait3A_144 = tpu.memref_squeeze %dma_wait3A_143 : memref<1x128x128xf32, #tpu.memory_space<vmem>> -> memref<128x128xf32, #tpu.memory_space<vmem>>
        tpu.wait_dma2 semaphore(%arg18 : memref<!tpu.dma_semaphore, #tpu.memory_space<semaphore_mem>>) src(%dma_wait3A_144 : memref<128x128xf32, #tpu.memory_space<vmem>>) dst(%dma_wait3A_140 : memref<128x128xf32, #tpu.memory_space<hbm>>)
      } else {
      }
      %lt3A_112 = arith.constant 16 : i32
      %lt3A_113 = arith.cmpi slt, %add3A_101, %lt3A_112 : i32
      %convert_element_type3A_114 = arith.extui %lt3A_113 : i1 to i32
      %cond3A_115 = arith.constant 0 : i32
      %cond3A_116 = arith.cmpi ne, %convert_element_type3A_114, %cond3A_115 : i32
      scf.if %cond3A_116 {
        %mul3A_127 = arith.constant 128 : i32
        %mul3A_128 = arith.muli %add3A_101, %mul3A_127 : i32
        %dma_start3A_129 = arith.constant 3 : i32
        %dma_start3A_130 = arith.constant 0 : i32
        %dma_start3A_131 = arith.constant 0 : i32
        %dma_start3A_132 = tpu.memref_slice %arg9[%dma_start3A_129, %dma_start3A_130, %dma_start3A_131] : memref<4x128x128xf32, #tpu.memory_space<vmem>> -> memref<1x128x128xf32, #tpu.memory_space<vmem>>
        %dma_start3A_133 = tpu.memref_squeeze %dma_start3A_132 : memref<1x128x128xf32, #tpu.memory_space<vmem>> -> memref<128x128xf32, #tpu.memory_space<vmem>>
        %dma_start3A_134 = tpu.memref_slice %arg8[%mul3A_128] : memref<2048xi32, #tpu.memory_space<vmem>> -> memref<128xi32, #tpu.memory_space<vmem>>
        %dma_start3A_135 = arith.constant 0 : i32
        %dma_start3A_136 = arith.constant 0 : i32
        %dma_start3A_137 = tpu.memref_slice %arg4[%dma_start3A_135, %dma_start3A_136] : memref<2048x128xf32, #tpu.memory_space<hbm>> -> memref<2048x128xf32, #tpu.memory_space<hbm>>
        tpu.enqueue_indirect_dma source(%dma_start3A_137 : memref<2048x128xf32, #tpu.memory_space<hbm>>) target(%dma_start3A_133 : memref<128x128xf32, #tpu.memory_space<vmem>>) offsets(%dma_start3A_134 : memref<128xi32, #tpu.memory_space<vmem>>) semaphore(%arg14 : memref<!tpu.dma_semaphore, #tpu.memory_space<semaphore_mem>>)
      } else {
      }
      %sub3A_117 = arith.constant 2 : i32
      %sub3A_118 = arith.subi %add3A_101, %sub3A_117 : i32
      %ge3A_119 = arith.constant 0 : i32
      %ge3A_120 = arith.cmpi sge, %sub3A_118, %ge3A_119 : i32
      %lt3A_121 = arith.constant 16 : i32
      %lt3A_122 = arith.cmpi slt, %sub3A_118, %lt3A_121 : i32
      %and3A_123 = arith.andi %ge3A_120, %lt3A_122 : i1
      %convert_element_type3A_124 = arith.extui %and3A_123 : i1 to i32
      %cond3A_125 = arith.constant 0 : i32
      %cond3A_126 = arith.cmpi ne, %convert_element_type3A_124, %cond3A_125 : i32
      scf.if %cond3A_126 {
        %mul3A_127 = arith.constant 128 : i32
        %mul3A_128 = arith.muli %sub3A_118, %mul3A_127 : i32
        %dma_wait3A_129 = arith.constant 1 : i32
        %dma_wait3A_130 = arith.constant 0 : i32
        %dma_wait3A_131 = arith.constant 0 : i32
        %dma_wait3A_132 = tpu.memref_slice %arg9[%dma_wait3A_129, %dma_wait3A_130, %dma_wait3A_131] : memref<4x128x128xf32, #tpu.memory_space<vmem>> -> memref<1x128x128xf32, #tpu.memory_space<vmem>>
        %dma_wait3A_133 = tpu.memref_squeeze %dma_wait3A_132 : memref<1x128x128xf32, #tpu.memory_space<vmem>> -> memref<128x128xf32, #tpu.memory_space<vmem>>
        %dma_wait3A_134 = tpu.memref_slice %arg8[%mul3A_128] : memref<2048xi32, #tpu.memory_space<vmem>> -> memref<128xi32, #tpu.memory_space<vmem>>
        %dma_wait3A_135 = arith.constant 0 : i32
        %dma_wait3A_136 = arith.constant 0 : i32
        %dma_wait3A_137 = tpu.memref_slice %arg4[%dma_wait3A_135, %dma_wait3A_136] : memref<2048x128xf32, #tpu.memory_space<hbm>> -> memref<2048x128xf32, #tpu.memory_space<hbm>>
        tpu.wait_indirect_dma semaphore(%arg12 : memref<!tpu.dma_semaphore, #tpu.memory_space<semaphore_mem>>) src(%dma_wait3A_137 : memref<2048x128xf32, #tpu.memory_space<hbm>>) dst(%dma_wait3A_133 : memref<128x128xf32, #tpu.memory_space<vmem>>)
        %mul3A_138 = arith.constant 128 : i32
        %mul3A_139 = arith.muli %sub3A_118, %mul3A_138 : i32
        %add3A_140 = arith.addi %mul3A_2, %mul3A_139 : i32
        %dma_start3A_141 = arith.constant 1 : i32
        %dma_start3A_142 = arith.constant 0 : i32
        %dma_start3A_143 = arith.constant 0 : i32
        %dma_start3A_144 = tpu.memref_slice %arg9[%dma_start3A_141, %dma_start3A_142, %dma_start3A_143] : memref<4x128x128xf32, #tpu.memory_space<vmem>> -> memref<1x128x128xf32, #tpu.memory_space<vmem>>
        %dma_start3A_145 = tpu.memref_squeeze %dma_start3A_144 : memref<1x128x128xf32, #tpu.memory_space<vmem>> -> memref<128x128xf32, #tpu.memory_space<vmem>>
        %dma_start3A_146 = arith.constant 0 : i32
        %dma_start3A_147 = tpu.memref_slice %arg5[%add3A_140, %dma_start3A_146] : memref<65536x128xf32, #tpu.memory_space<hbm>> -> memref<128x128xf32, #tpu.memory_space<hbm>>
        %dma_start3A_148 = arith.constant 0 : i32
        %dma_start3A_149 = tpu.memref_slice %arg5[%add3A_140, %dma_start3A_148] : memref<65536x128xf32, #tpu.memory_space<hbm>> -> memref<128x128xf32, #tpu.memory_space<hbm>>
        %dma_start3A_150 = arith.constant 0 : i32
        %dma_start3A_151 = arith.constant 0 : i32
        %dma_start3A_152 = tpu.memref_slice %arg9[%dma_start3A_141, %dma_start3A_150, %dma_start3A_151] : memref<4x128x128xf32, #tpu.memory_space<vmem>> -> memref<1x128x128xf32, #tpu.memory_space<vmem>>
        %dma_start3A_153 = tpu.memref_squeeze %dma_start3A_152 : memref<1x128x128xf32, #tpu.memory_space<vmem>> -> memref<128x128xf32, #tpu.memory_space<vmem>>
        tpu.enqueue_dma source(%dma_start3A_153 : memref<128x128xf32, #tpu.memory_space<vmem>>) target(%dma_start3A_149 : memref<128x128xf32, #tpu.memory_space<hbm>>) target_semaphore(%arg16 : memref<!tpu.dma_semaphore, #tpu.memory_space<semaphore_mem>>)
      } else {
      }
    }
    %scan3A_15 = arith.constant 6 : i32
    return
  }
}

module attributes {stable_mosaic.version = 14 : i64} {
  func.func @_tc_vector_body(%arg0: i32, %arg1: memref<1x1x2048xi32, #tpu.memory_space<vmem>>, %arg2: memref<9x2048xf32, #tpu.memory_space<vmem>>, %arg3: memref<32x384xf32, #tpu.memory_space<vmem>>, %arg4: memref<3x2048x128xf32, #tpu.memory_space<vmem>>) attributes {dimension_semantics = [#tpu.dimension_semantics<arbitrary>], iteration_bounds = array<i64: 32>, scalar_prefetch = 0 : i64, scratch_operands = 0 : i64, tpu.core_type = #tpu.core_type<tc>, window_params = [{transform_indices = @transform_0, window_bounds = array<i64: 1, 1, 2048>}, {transform_indices = @transform_1, window_bounds = array<i64: 9, 2048>}, {pipeline_mode = #tpu.pipeline_mode<synchronous>, transform_indices = @transform_2, window_bounds = array<i64: 32, 384>}, {transform_indices = @transform_3, window_bounds = array<i64: 3, 2048, 128>}]} {
    %get3A = arith.constant 0 : index
    %get3A_0 = arith.constant 0 : index
    %get3A_1 = arith.constant 0 : index
    %get3A_2 = vector.load %arg1[%get3A, %get3A_0, %get3A_1] : memref<1x1x2048xi32, #tpu.memory_space<vmem>>, vector<1x1x2048xi32>
    %get3A_3 = vector.shape_cast %get3A_2 : vector<1x1x2048xi32> to vector<1x2048xi32>
    %iota3A = tpu.iota {dimensions = array<i32: 0>} : vector<32x2048xi32>
    %eq3A = vector.broadcast %get3A_3 : vector<1x2048xi32> to vector<32x2048xi32>
    %eq3A_4 = arith.cmpi eq, %iota3A, %eq3A : vector<32x2048xi32>
    %jit3A = arith.constant 1.000000e+00 : f32
    %jit3A_5 = arith.constant 0.000000e+00 : f32
    %broadcast_in_dim3A = vector.broadcast %jit3A : f32 to vector<32x2048xf32>
    %broadcast_in_dim3A_6 = vector.broadcast %jit3A_5 : f32 to vector<32x2048xf32>
    %select_n3A = arith.select %eq3A_4, %broadcast_in_dim3A, %broadcast_in_dim3A_6 : vector<32x2048xi1>, vector<32x2048xf32>
    %get3A_7 = arith.constant 0 : index
    %get3A_8 = arith.constant 0 : index
    %get3A_9 = vector.load %arg3[%get3A_7, %get3A_8] : memref<32x384xf32, #tpu.memory_space<vmem>>, vector<32x384xf32>
    %dot_general3A = arith.constant dense<0.000000e+00> : vector<2048x384xf32>
    %dot_general3A_10 = tpu.matmul %select_n3A, %get3A_9, %dot_general3A {dimension_numbers = #tpu.dot_dimension_numbers<[0], [0], [1], [1], [0, 1, 1, 1], [], []>, transpose_lhs_hint = false} : vector<32x2048xf32>, vector<32x384xf32>, vector<2048x384xf32> -> vector<2048x384xf32>
    %iota3A_11 = tpu.iota {dimensions = array<i32: 0>} : vector<9x1152xi32>
    %iota3A_12 = tpu.iota {dimensions = array<i32: 1>} : vector<9x1152xi32>
    %jit3A_13 = arith.constant 128 : i32
    %div3A = vector.broadcast %jit3A_13 : i32 to vector<9x1152xi32>
    %div3A_14 = arith.divsi %iota3A_12, %div3A : vector<9x1152xi32>
    %sign3A = arith.constant 0 : i32
    %sign3A_15 = vector.broadcast %sign3A : i32 to vector<9x1152xi32>
    %sign3A_16 = arith.cmpi sgt, %iota3A_12, %sign3A_15 : vector<9x1152xi32>
    %sign3A_17 = arith.extui %sign3A_16 : vector<9x1152xi1> to vector<9x1152xi32>
    %sign3A_18 = arith.constant 0 : i32
    %sign3A_19 = vector.broadcast %sign3A_18 : i32 to vector<9x1152xi32>
    %sign3A_20 = arith.cmpi slt, %iota3A_12, %sign3A_19 : vector<9x1152xi32>
    %sign3A_21 = arith.extui %sign3A_20 : vector<9x1152xi1> to vector<9x1152xi32>
    %sign3A_22 = arith.subi %sign3A_17, %sign3A_21 : vector<9x1152xi32>
    %sign3A_23 = arith.constant 0 : i32
    %sign3A_24 = arith.cmpi sgt, %jit3A_13, %sign3A_23 : i32
    %sign3A_25 = arith.extui %sign3A_24 : i1 to i32
    %sign3A_26 = arith.constant 0 : i32
    %sign3A_27 = arith.cmpi slt, %jit3A_13, %sign3A_26 : i32
    %sign3A_28 = arith.extui %sign3A_27 : i1 to i32
    %sign3A_29 = arith.subi %sign3A_25, %sign3A_28 : i32
    %ne3A = vector.broadcast %sign3A_29 : i32 to vector<9x1152xi32>
    %ne3A_30 = arith.cmpi ne, %sign3A_22, %ne3A : vector<9x1152xi32>
    %rem3A = vector.broadcast %jit3A_13 : i32 to vector<9x1152xi32>
    %rem3A_31 = arith.remsi %iota3A_12, %rem3A : vector<9x1152xi32>
    %ne3A_32 = arith.constant 0 : i32
    %ne3A_33 = vector.broadcast %ne3A_32 : i32 to vector<9x1152xi32>
    %ne3A_34 = arith.cmpi ne, %rem3A_31, %ne3A_33 : vector<9x1152xi32>
    %and3A = arith.andi %ne3A_30, %ne3A_34 : vector<9x1152xi1>
    %sub3A = arith.constant 1 : i32
    %sub3A_35 = vector.broadcast %sub3A : i32 to vector<9x1152xi32>
    %sub3A_36 = arith.subi %div3A_14, %sub3A_35 : vector<9x1152xi32>
    %select_n3A_37 = arith.select %and3A, %sub3A_36, %div3A_14 : vector<9x1152xi1>, vector<9x1152xi32>
    %eq3A_38 = arith.cmpi eq, %iota3A_11, %select_n3A_37 : vector<9x1152xi32>
    %convert_element_type3A = arith.extui %eq3A_38 : vector<9x1152xi1> to vector<9x1152xi32>
    %convert_element_type3A_39 = arith.sitofp %convert_element_type3A : vector<9x1152xi32> to vector<9x1152xf32>
    %get3A_40 = arith.constant 0 : index
    %get3A_41 = arith.constant 0 : index
    %get3A_42 = vector.load %arg2[%get3A_40, %get3A_41] : memref<9x2048xf32, #tpu.memory_space<vmem>>, vector<9x2048xf32>
    %dot_general3A_43 = arith.constant dense<0.000000e+00> : vector<2048x1152xf32>
    %dot_general3A_44 = tpu.matmul %get3A_42, %convert_element_type3A_39, %dot_general3A_43 {dimension_numbers = #tpu.dot_dimension_numbers<[0], [0], [1], [1], [0, 1, 1, 1], [], []>, transpose_lhs_hint = false} : vector<9x2048xf32>, vector<9x1152xf32>, vector<2048x1152xf32> -> vector<2048x1152xf32>
    %slice3A = vector.extract_strided_slice %dot_general3A_44 {offsets = [0, 0], sizes = [2048, 128], strides = [1, 1]} : vector<2048x1152xf32> to vector<2048x128xf32>
    %slice3A_45 = vector.extract_strided_slice %dot_general3A_10 {offsets = [0, 0], sizes = [2048, 128], strides = [1, 1]} : vector<2048x384xf32> to vector<2048x128xf32>
    %mul3A = arith.mulf %slice3A, %slice3A_45 : vector<2048x128xf32>
    %slice3A_46 = vector.extract_strided_slice %dot_general3A_44 {offsets = [0, 128], sizes = [2048, 128], strides = [1, 1]} : vector<2048x1152xf32> to vector<2048x128xf32>
    %slice3A_47 = vector.extract_strided_slice %dot_general3A_10 {offsets = [0, 128], sizes = [2048, 128], strides = [1, 1]} : vector<2048x384xf32> to vector<2048x128xf32>
    %mul3A_48 = arith.mulf %slice3A_46, %slice3A_47 : vector<2048x128xf32>
    %add3A = arith.addf %mul3A, %mul3A_48 : vector<2048x128xf32>
    %slice3A_49 = vector.extract_strided_slice %dot_general3A_44 {offsets = [0, 256], sizes = [2048, 128], strides = [1, 1]} : vector<2048x1152xf32> to vector<2048x128xf32>
    %slice3A_50 = vector.extract_strided_slice %dot_general3A_10 {offsets = [0, 256], sizes = [2048, 128], strides = [1, 1]} : vector<2048x384xf32> to vector<2048x128xf32>
    %mul3A_51 = arith.mulf %slice3A_49, %slice3A_50 : vector<2048x128xf32>
    %add3A_52 = arith.addf %add3A, %mul3A_51 : vector<2048x128xf32>
    %swap3A = arith.constant 0 : index
    %swap3A_53 = arith.constant 0 : index
    %swap3A_54 = arith.constant 0 : index
    %swap3A_55 = vector.load %arg4[%swap3A, %swap3A_53, %swap3A_54] : memref<3x2048x128xf32, #tpu.memory_space<vmem>>, vector<1x2048x128xf32>
    %swap3A_56 = vector.shape_cast %swap3A_55 : vector<1x2048x128xf32> to vector<2048x128xf32>
    %swap3A_57 = vector.shape_cast %add3A_52 : vector<2048x128xf32> to vector<1x2048x128xf32>
    tpu.vector_store %arg4[%swap3A, %swap3A_53, %swap3A_54], %swap3A_57 {strides = array<i32>} : memref<3x2048x128xf32, #tpu.memory_space<vmem>>, vector<1x2048x128xf32>,
    %slice3A_58 = vector.extract_strided_slice %dot_general3A_44 {offsets = [0, 384], sizes = [2048, 128], strides = [1, 1]} : vector<2048x1152xf32> to vector<2048x128xf32>
    %slice3A_59 = vector.extract_strided_slice %dot_general3A_10 {offsets = [0, 0], sizes = [2048, 128], strides = [1, 1]} : vector<2048x384xf32> to vector<2048x128xf32>
    %mul3A_60 = arith.mulf %slice3A_58, %slice3A_59 : vector<2048x128xf32>
    %slice3A_61 = vector.extract_strided_slice %dot_general3A_44 {offsets = [0, 512], sizes = [2048, 128], strides = [1, 1]} : vector<2048x1152xf32> to vector<2048x128xf32>
    %slice3A_62 = vector.extract_strided_slice %dot_general3A_10 {offsets = [0, 128], sizes = [2048, 128], strides = [1, 1]} : vector<2048x384xf32> to vector<2048x128xf32>
    %mul3A_63 = arith.mulf %slice3A_61, %slice3A_62 : vector<2048x128xf32>
    %add3A_64 = arith.addf %mul3A_60, %mul3A_63 : vector<2048x128xf32>
    %slice3A_65 = vector.extract_strided_slice %dot_general3A_44 {offsets = [0, 640], sizes = [2048, 128], strides = [1, 1]} : vector<2048x1152xf32> to vector<2048x128xf32>
    %slice3A_66 = vector.extract_strided_slice %dot_general3A_10 {offsets = [0, 256], sizes = [2048, 128], strides = [1, 1]} : vector<2048x384xf32> to vector<2048x128xf32>
    %mul3A_67 = arith.mulf %slice3A_65, %slice3A_66 : vector<2048x128xf32>
    %add3A_68 = arith.addf %add3A_64, %mul3A_67 : vector<2048x128xf32>
    %swap3A_69 = arith.constant 1 : index
    %swap3A_70 = arith.constant 0 : index
    %swap3A_71 = arith.constant 0 : index
    %swap3A_72 = vector.load %arg4[%swap3A_69, %swap3A_70, %swap3A_71] : memref<3x2048x128xf32, #tpu.memory_space<vmem>>, vector<1x2048x128xf32>
    %swap3A_73 = vector.shape_cast %swap3A_72 : vector<1x2048x128xf32> to vector<2048x128xf32>
    %swap3A_74 = vector.shape_cast %add3A_68 : vector<2048x128xf32> to vector<1x2048x128xf32>
    tpu.vector_store %arg4[%swap3A_69, %swap3A_70, %swap3A_71], %swap3A_74 {strides = array<i32>} : memref<3x2048x128xf32, #tpu.memory_space<vmem>>, vector<1x2048x128xf32>,
    %slice3A_75 = vector.extract_strided_slice %dot_general3A_44 {offsets = [0, 768], sizes = [2048, 128], strides = [1, 1]} : vector<2048x1152xf32> to vector<2048x128xf32>
    %slice3A_76 = vector.extract_strided_slice %dot_general3A_10 {offsets = [0, 0], sizes = [2048, 128], strides = [1, 1]} : vector<2048x384xf32> to vector<2048x128xf32>
    %mul3A_77 = arith.mulf %slice3A_75, %slice3A_76 : vector<2048x128xf32>
    %slice3A_78 = vector.extract_strided_slice %dot_general3A_44 {offsets = [0, 896], sizes = [2048, 128], strides = [1, 1]} : vector<2048x1152xf32> to vector<2048x128xf32>
    %slice3A_79 = vector.extract_strided_slice %dot_general3A_10 {offsets = [0, 128], sizes = [2048, 128], strides = [1, 1]} : vector<2048x384xf32> to vector<2048x128xf32>
    %mul3A_80 = arith.mulf %slice3A_78, %slice3A_79 : vector<2048x128xf32>
    %add3A_81 = arith.addf %mul3A_77, %mul3A_80 : vector<2048x128xf32>
    %slice3A_82 = vector.extract_strided_slice %dot_general3A_44 {offsets = [0, 1024], sizes = [2048, 128], strides = [1, 1]} : vector<2048x1152xf32> to vector<2048x128xf32>
    %slice3A_83 = vector.extract_strided_slice %dot_general3A_10 {offsets = [0, 256], sizes = [2048, 128], strides = [1, 1]} : vector<2048x384xf32> to vector<2048x128xf32>
    %mul3A_84 = arith.mulf %slice3A_82, %slice3A_83 : vector<2048x128xf32>
    %add3A_85 = arith.addf %add3A_81, %mul3A_84 : vector<2048x128xf32>
    %swap3A_86 = arith.constant 2 : index
    %swap3A_87 = arith.constant 0 : index
    %swap3A_88 = arith.constant 0 : index
    %swap3A_89 = vector.load %arg4[%swap3A_86, %swap3A_87, %swap3A_88] : memref<3x2048x128xf32, #tpu.memory_space<vmem>>, vector<1x2048x128xf32>
    %swap3A_90 = vector.shape_cast %swap3A_89 : vector<1x2048x128xf32> to vector<2048x128xf32>
    %swap3A_91 = vector.shape_cast %add3A_85 : vector<2048x128xf32> to vector<1x2048x128xf32>
    tpu.vector_store %arg4[%swap3A_86, %swap3A_87, %swap3A_88], %swap3A_91 {strides = array<i32>} : memref<3x2048x128xf32, #tpu.memory_space<vmem>>, vector<1x2048x128xf32>,
    return
  }
  func.func @transform_0(%arg0: i32) -> (i32, i32, i32) {
    %c0_i32 = arith.constant 0 : i32
    %c0_i32_0 = arith.constant 0 : i32
    %c0_i32_1 = arith.constant 0 : i32
    return %arg0, %c0_i32, %c0_i32_0 : i32, i32, i32
  }
  func.func @transform_1(%arg0: i32) -> (i32, i32) {
    %c0_i32 = arith.constant 0 : i32
    %c0_i32_0 = arith.constant 0 : i32
    return %c0_i32, %arg0 : i32, i32
  }
  func.func @transform_2(%arg0: i32) -> (i32, i32) {
    %c0_i32 = arith.constant 0 : i32
    %c0_i32_0 = arith.constant 0 : i32
    %c0_i32_1 = arith.constant 0 : i32
    return %c0_i32, %c0_i32_0 : i32, i32
  }
  func.func @transform_3(%arg0: i32) -> (i32, i32, i32) {
    %c0_i32 = arith.constant 0 : i32
    %c0_i32_0 = arith.constant 0 : i32
    %c0_i32_1 = arith.constant 0 : i32
    return %c0_i32, %arg0, %c0_i32_0 : i32, i32, i32
  }
}

</mosaic_0001>

<sc_bundles>
// kernel: kernel.4.cloned.1.call-start
scs
__scs_entry_jumppad:
0x0: {  	(pc) =	sbr.rel $0x88, $3  }
0x1: {  	(tag) =	ssettag $0x0;
	lr =	simm.s32 $0x1  }
0x2: {  	[smem:$0x3F9B] =	sst lr;
	_ =	strace $0xD0000000  }
0x3: {  	_ = 	snop  }
0x4: {  	_ = 	snop  }
0x5: {  	_ = 	snop  }
0x6: {  	_ = 	snop  }
0x7: {  	_ = 	snop  }
__scs_overlays_trampoline_lowered:
0x8: {  	[smem:$0x3FAA] =	sst s0  }
0x9: {  	[smem:$0x3FAB] =	sst s1  }
0xa: {  	[smem:$0x3FAC] =	sst s2  }
0xb: {  	[smem:$0x3FAD] =	sst s3  }
0xc: {  	[smem:$0x3FAE] =	sst s4  }
0xd: {  	[smem:$0x3FAF] =	sst s5  }
0xe: {  	[smem:$0x3FB0] =	sst s6  }
0xf: {  	[smem:$0x3FB1] =	sst s7  }
0x10: {  	[smem:$0x3FB2] =	sst s8  }
0x11: {  	[smem:$0x3FB3] =	sst s9;
	s0 =	simm.s32 @!p0 $0x0  }
0x12: {  	s1 =	sld [smem:$0x3F99];
	s0 =	simm.s32 @p0 $0x1  }
0x13: {  	[smem:$0x3FB4] =	sst s0;
	s0 =	simm.s32 @!p1 $0x0  }
0x14: {  	s2 =	sld [smem:$0x3F98];
	s0 =	simm.s32 @p1 $0x1  }
0x15: {  	[smem:$0x3FB5] =	sst s0;
	s0 =	simm.s32 @!p2 $0x0  }
0x16: {  	s3 =	sld [smem:$0x3FDB];
	s0 =	simm.s32 @p2 $0x1  }
0x17: {  	s4 =	simm.s32 $0x1BF5;
	[smem:$0x3FB7] =	sst s0  }
0x18: {  	s0 =	sld [smem:$0x3F9A];
	_ =	swait.ge [sflag:s4], $0x0  }
0x19: {  	s7 =	sld [smem:$0x3F9B]  }
0x1a: {  	s8 =	sadd.s32 $0xFFFFE003, lr  }
0x1b: {  	s9 =	sadd.s32 $0xFFFFFEF7, lr;
	s5 =	simm.s32 $0xFFFFFFFF;
	p2 =	slt.u32 s8, $0xFFFFF086  }
0x1c: {  	p1 =	slt.u32 s9, $0xF7A;
	s5 =	simm.s32 @!p2 $0x0  }
0x1d: {  	s5 =	simm.s32 @p1 $0x1;
	p0 =	seq.s32 s7, s2  }
0x1e: {  	s7 =	smul.u32 @!p0 $0xF7A, s2;
	p2 =	seq.s32 @!p0 s5, $0x0  }
0x1f: {  	s9 =	smul.u32 $0xF7A, s1;
	s8 =	simm.s32 @!p0 $0x1BF5;
	p2 =	por !p2, p0  }
0x20: {  	[sflag:s8] =	ssyncset.s32 @!p0 $0xFFFFF086;
	s6 =	sadd.s32 @!p0 s3, s7;
	s7 =	simm.s32 @!p0 $0x108  }
0x21: {  	s3 =	sadd.s32 s3, s9;
	s6 =	sadd.s32 @!p0 $0x88, s6;
	s7 =	simm.s32 @p2 $0x1082  }
0x22: {  	[simem:s7], [sflag:s8] =	dma.local @!p0 [hbm:s6], $0xF7A  }
0x23: {  	s9 =	sor.u32 $0xD0000000, s2;
	s6 =	simm.s32 $0x108;
	_ =	swait.ge @!p0 [sflag:s8], $0x0  }
0x24: {  	s3 =	sadd.s32 $0x88, s3;
	s6 =	simm.s32 @!p1 $0x1082;
	[sflag:s4] =	ssyncset.s32 $0xFFFFF086  }
0x25: {  	[simem:s6], [sflag:s4] =	dma.local [hbm:s3], $0xF7A  }
0x26: {  	[smem:$0x3F9B] =	sst s1;
	(tag) =	ssettag s2;
	_ =	strace s9  }
0x27: {  	s1 =	sld [smem:$0x3FAB]  }
0x28: {  	s2 =	sld [smem:$0x3FAC]  }
0x29: {  	s4 =	sld [smem:$0x3FAE]  }
0x2a: {  	p0 =	seq.s32 s5, $0x0;
	s5 =	sld [smem:$0x3FAF]  }
0x2b: {  	s6 =	sld [smem:$0x3FB0]  }
0x2c: {  	s7 =	sld [smem:$0x3FB1]  }
0x2d: {  	s3 =	simm.s32 $0x108;
	s8 =	sld [smem:$0x3FB2]  }
0x2e: {  	s3 =	simm.s32 @!p0 $0x1082;
	s9 =	sld [smem:$0x3FB3]  }
0x2f: {  	lr =	sadd.s32 s0, s3;
	s0 =	sld [smem:$0x3FAA]  }
0x30: {  	s3 =	sld [smem:$0x3FAD]  }
0x31: {  	[smem:$0x3FB6] =	sst s10  }
0x32: {  	s10 =	sld [smem:$0x3FB4];
	_ =	sdelay $0x3  }
0x33: {  	p0 =	seq.s32 s10, $0x1;
	s10 =	sld [smem:$0x3FB6];
	_ =	sdelay $0x3  }
0x34: {  	[smem:$0x3FB6] =	sst s10  }
0x35: {  	s10 =	sld [smem:$0x3FB5];
	_ =	sdelay $0x3  }
0x36: {  	p1 =	seq.s32 s10, $0x1;
	s10 =	sld [smem:$0x3FB6];
	_ =	sdelay $0x3  }
0x37: {  	[smem:$0x3FB6] =	sst s10  }
0x38: {  	s10 =	sld [smem:$0x3FB7]  }
0x39: {  	_ = 	snop;
	(pc) =	sbr.ind lr, $3  }
0x3a: {  	_ = 	snop  }
0x3b: {  	_ = 	snop  }
0x3c: {  	p2 =	seq.s32 s10, $0x1;
	s10 =	sld [smem:$0x3FB6]  }
0x3d: {  	_ =	shalt  }
0x3e: {  	_ =	shalt  }
0x3f: {  	_ =	shalt  }
0x40: {  	_ =	shalt  }
0x41: {  	_ =	shalt  }
0x42: {  	_ =	shalt  }
0x43: {  	_ =	shalt  }
0x44: {  	_ =	shalt  }
0x45: {  	_ =	shalt  }
0x46: {  	_ =	shalt  }
0x47: {  	_ =	shalt  }
0x48: {  	_ =	shalt  }
0x49: {  	_ =	shalt  }
0x4a: {  	_ =	shalt  }
0x4b: {  	_ =	shalt  }
0x4c: {  	_ =	shalt  }
0x4d: {  	_ =	shalt  }
0x4e: {  	_ =	shalt  }
0x4f: {  	_ =	shalt  }
0x50: {  	_ =	shalt  }
0x51: {  	_ =	shalt  }
0x52: {  	_ =	shalt  }
0x53: {  	_ =	shalt  }
0x54: {  	_ =	shalt  }
0x55: {  	_ =	shalt  }
0x56: {  	_ =	shalt  }
0x57: {  	_ =	shalt  }
0x58: {  	_ =	shalt  }
0x59: {  	_ =	shalt  }
0x5a: {  	_ =	shalt  }
0x5b: {  	_ =	shalt  }
0x5c: {  	_ =	shalt  }
0x5d: {  	_ =	shalt  }
0x5e: {  	_ =	shalt  }
0x5f: {  	_ =	shalt  }
0x60: {  	_ =	shalt  }
0x61: {  	_ =	shalt  }
0x62: {  	_ =	shalt  }
0x63: {  	_ =	shalt  }
0x64: {  	_ =	shalt  }
0x65: {  	_ =	shalt  }
0x66: {  	_ =	shalt  }
0x67: {  	_ =	shalt  }
0x68: {  	_ =	shalt  }
0x69: {  	_ =	shalt  }
0x6a: {  	_ =	shalt  }
0x6b: {  	_ =	shalt  }
0x6c: {  	_ =	shalt  }
0x6d: {  	_ =	shalt  }
0x6e: {  	_ =	shalt  }
0x6f: {  	_ =	shalt  }
0x70: {  	_ =	shalt  }
0x71: {  	_ =	shalt  }
0x72: {  	_ =	shalt  }
0x73: {  	_ =	shalt  }
0x74: {  	_ =	shalt  }
0x75: {  	_ =	shalt  }
0x76: {  	_ =	shalt  }
0x77: {  	_ =	shalt  }
0x78: {  	_ =	shalt  }
0x79: {  	_ =	shalt  }
0x7a: {  	_ =	shalt  }
0x7b: {  	_ =	shalt  }
0x7c: {  	_ =	shalt  }
0x7d: {  	_ =	shalt  }
0x7e: {  	_ =	shalt  }
0x7f: {  	_ =	shalt  }
0x80: {  	_ =	shalt  }
0x81: {  	_ =	shalt  }
0x82: {  	_ =	shalt  }
0x83: {  	_ =	shalt  }
0x84: {  	_ =	shalt  }
0x85: {  	_ =	shalt  }
0x86: {  	_ =	shalt  }
0x87: {  	_ =	shalt  }
.Lfunc_end0:
.L_simem_size_0:
called_computation_lowered:
.L_overlay_start_0:
0x88: {  	s2 =	sld [smem:$0x3FD9]  }
0x89: {  	s3 =	sld [smem:$0x3FFE];
	_ =	sdelay $0x1  }
0x8a: {  	s1 =	srdreg.scid  }
0x8b: {  	s0 =	sand.u32 $0x1, s1  }
0x8c: {  	s14 =	sshll.u32 s0, $0xA;
	s2 =	sadd.s32 s3, s2  }
0x8d: {  	s2 =	sadd.s32 s2, s14  }
0x8e: {  	[smem:$0x3FC2] =	sst s2  }
0x8f: {  	_ = 	snop  }
0x90: {  	s2 =	sld [smem:$0x3FD0];
	_ =	sdelay $0x1  }
0x91: {  	s15 =	sld [smem:$0x3FC9]  }
0x92: {  	s5 =	simm.s32 $0xA;
	s6 =	simm.s32 $0x10;
	s4 =	sld [smem:$0x3FC7]  }
0x93: {  	[smem:s6], [sflag:s5] =	dma.local [hbm:s2], $0x1  }
0x94: {  	_ =	swait.eq [sflag:s5], $0x1  }
0x95: {  	[sflag:s5] =	ssyncset.done $0x0  }
0x96: {  	[sflag:s5] =	ssyncadd.s32 $0xFFFFFFFF  }
0x97: {  	s16 =	sld [smem:$0x10];
	(tm) =	ssettm $0x1  }
0x98: {  	s17 =	sld [smem:$0x3FFB];
	_ =	sdelay $0x3  }
0x99: {  	_ =	strace s17  }
0x9a: {  	s5 =	sld [smem:$0x3FFC];
	_ =	sdelay $0x3  }
0x9b: {  	_ =	strace s5  }
0x9c: {  	s5 =	sld [smem:$0x3FFD];
	_ =	sdelay $0x3  }
0x9d: {  	_ =	strace s5  }
0x9e: {  	_ =	strace $0x8FFFFFFF  }
0x9f: {  	s18 =	sld [smem:$0x3FDB];
	_ =	sdelay $0x1  }
0xa0: {  	s19 =	simm.s32 $_scs_section_size  }
0xa1: {  	s7 =	simm.s32 $_size__tile_overlayer_lowered;
	s8 =	simm.s32 $_tile_overlayer_lowered  }
0xa2: {  	s22 =	simm.s32 $0x1BFF;
	s21 =	sshll.u32 s8, $0x1;
	s5 =	sadd.s32 s19, s18  }
0xa3: {  	s9 =	simm.s32 $0x0;
	s20 =	sshll.u32 s7, $0x1;
	s7 =	sadd.s32 s21, s5  }
0xa4: {  	[timem:s9], [sflag:s22] =	dma.local [hbm:s7], s20  }
0xa5: {  	_ =	swait.ge [sflag:s22], s20  }
0xa6: {  	s6 =	ssub.s32 $0x0, s20;
	[sflag:s22] =	ssyncset.done $0x0  }
0xa7: {  	[sflag:s22] =	ssyncadd.s32 s6;
	_ =	sdelay $0x1  }
0xa8: {  	s23 =	simm.s32 $0x1B8B  }
0xa9: {  	_ =	swait.ge [sflag:s23], $0x1  }
0xaa: {  	[sflag:s23] =	ssyncset.done $0x0  }
0xab: {  	s25 =	simm.s32 $0x1B8E;
	s24 =	sld [smem:$0x3FFE];
	[sflag:s23] =	ssyncadd.s32 $0xFFFFFFFF  }
0xac: {  	s26 =	simm.s32 $execute0_lowered;
	[smem:$0x3FD2] =	sst s25  }
0xad: {  	s7 =	sshll.u32 s26, $0x1;
	_ =	strace $0x80000046;
	[dreg:$0x1] =	wrdreg $0xFFFFFFFF  }
0xae: {  	s28 =	simm.s32 $_size_execute0_lowered;
	s5 =	sadd.s32 s5, s7;
	[dreg:$0x0] =	wrdreg $0x0  }
0xaf: {  	s7 =	sshll.u32 s28, $0x1;
	[dreg:$0x2] =	wrdreg s5  }
0xb0: {  	[dreg:$0x3] =	wrdreg s7  }
0xb1: {  	[dreg:$0x4] =	wrdreg $0xC0  }
0xb2: {  	_ =	task [dreg:s9], $0x5FFFF  }
0xb3: {  	[dreg:$0x1] =	wrdreg $0xFFFFFFFF  }
0xb4: {  	[dreg:$0x0] =	wrdreg $0x60  }
0xb5: {  	[dreg:$0x2] =	wrdreg s15  }
0xb6: {  	[dreg:$0x3] =	wrdreg s4  }
0xb7: {  	[dreg:$0x4] =	wrdreg s24  }
0xb8: {  	[dreg:$0x5] =	wrdreg s16  }
0xb9: {  	[dreg:$0x6] =	wrdreg $0x9  }
0xba: {  	_ =	task.clear_ibuf [dreg:s9], $0x7FFFF;
	_ =	strace $0x90000046  }
0xbb: {  	s29 =	simm.s32 $0x9;
	_ =	strace $0x80000048  }
0xbc: {  	_ =	swait.ge [sflag:s29], $0x1  }
0xbd: {  	[sflag:s29] =	ssyncadd.s32 $0xFFFFFFFF  }
0xbe: {  	_ =	strace $0x90000048  }
0xbf: {  	_ =	sfence  }
0xc0: {  	s30 =	sld [smem:$0x0];
	_ =	sdelay $0x2  }
0xc1: {  	s31 =	sshll.u32 s1, $0xD;
	s1 =	sshrl.u32 s1, $0x2  }
0xc2: {  	s3 =	sand.u32 $0x4000, s31;
	s1 =	sadd.s32 s1, s30  }
0xc3: {  	s0 =	sor.u32 s3, s0;
	s1 =	sshll.u32 s1, $0x11  }
0xc4: {  	s0 =	sor.u32 s1, s0  }
0xc5: {  	s0 =	sadd.s32 $0x8F2B, s0  }
0xc6: {  	[sflag:s0] =	ssyncadd.remote.s32 $0x1  }
0xc7: {  	_ =	sfence.sel $0xFFFF  }
0xc8: {  	[dreg:$0x0] =	wrdreg $0xFFFFFFFF;
	(pc) =	sbr.abs _section_cstart, $3  }
0xc9: {  	[dreg:$0x1] =	wrdreg $0xFFFFFFFF  }
0xca: {  	_ =	task.clear_ibuf [dreg:s9], $0x2FFFF;
	_ =	strace $0x9FFFFFFF  }
0xcb: {  	(tm) =	ssettm $0x7FFFFFFF  }
tec
execute0_lowered:
.L_overlay_start_1:
0x0: {  	(tag) =	ssettag $0x1  }
0x1: {  	s0 =	rddreg [dreg:$0x0]  }
0x2: {  	s1 =	rddreg [dreg:$0x1]  }
0x3: {  	s3 =	rddreg [dreg:$0x2]  }
0x4: {  	s4 =	rddreg [dreg:$0x3]  }
0x5: {  	s2 =	simm.s32 $0x0;
	s5 =	srdreg.scid;
	s7 =	stileid.u32  }
0x6: {  	s28 =	simm.s32 $0x1800;
	s30 =	simm.s32 $0x5800;
	s29 =	simm.s32 $0x3  }
0x7: {  	s31 =	simm.s32 $0x6;
	s9 =	simm.s32 $0x0;
	[smem:$0x7FF] =	sst s2  }
0x8: {  	s5 =	sand.u32 $0x1, s5;
	s7 =	sshll.u32 s7, $0xC;
	s3 =	sadd.s32 $0xA00, s3  }
0x9: {  	_ =	strace $0x80000047;
	s6 =	ssub.s32 $0x2, s5;
	s5 =	sshll.u32 s5, $0xB  }
0xa: {  	s8 =	sshrl.u32 s6, $0x1;
	s5 =	sor.u32 s5, s7;
	s7 =	simm.s32 $0x8  }
0xb: {  	s18 =	ssub.s32 s6, s8;
	s19 =	sshrl.u32 s5, $0x3;
	s5 =	sshll.u32 s5, $0x4  }
0xc: {  	s8 =	simm.s32 $0x9;
	s0 =	sadd.s32 s0, s19;
	s20 =	sadd.s32 s1, s19  }
0xd: {  	s6 =	sadd.s32 s4, s5;
	s21 =	smax.u32 s18, $0x1;
	[dreg:$0x5] =	wrdreg s0  }
0xe: {  	s1 =	simm.s32 $0x2;
	s4 =	simm.s32 $0x7;
	[dreg:$0x6] =	wrdreg s20  }
0xf: {  	s5 =	simm.s32 $0x5;
	[dreg:$0x7] =	wrdreg s21;
	s22 =	sadd.s32 $0x800, s6  }
0x10: {  	s23 =	sadd.s32 $0x1000, s6;
	s24 =	sadd.s32 $0x1800, s6;
	s25 =	sadd.s32 $0x2000, s6  }
0x11: {  	s26 =	sadd.s32 $0x2800, s6;
	s13 =	sadd.s32 $0x3000, s6;
	s14 =	sadd.s32 $0x3800, s6  }
0x12: {  	s15 =	sadd.s32 $0x4000, s6;
	s16 =	sadd.s32 $0x4800, s6;
	[dreg:$0x8] =	wrdreg s22  }
0x13: {  	s17 =	sadd.s32 $0x5000, s6;
	s18 =	sadd.s32 $0x5800, s6;
	[dreg:$0x9] =	wrdreg s23  }
0x14: {  	s19 =	sadd.s32 $0x6000, s6;
	s20 =	sadd.s32 $0x6800, s6;
	[dreg:$0xa] =	wrdreg s24  }
0x15: {  	s21 =	sadd.s32 $0x7000, s6;
	s0 =	simm.s32 $0x9800;
	[dreg:$0xb] =	wrdreg s25  }
0x16: {  	[dreg:$0xc] =	wrdreg s26;
	s22 =	sadd.s32 $0x7800, s6;
	s24 =	simm.s32 $0x1  }
0x17: {  	s25 =	simm.s32 $0x80;
	s26 =	simm.s32 $0xD800;
	s23 =	simm.s32 $0x4  }
.LBB2_1:
0x18: {  	s10 =	rddreg [dreg:$0x5]  }
0x19: {  	[tilespmem:s2], [sflag:$0x1] =	stream.linear.gather [hbm4b:s10+s2], $0x800, $0x38;
	[tilespmem:$0x11800] =	vst v63  }
0x1a: {  	s12 =	rddreg [dreg:$0x6];
	s11 =	simm.s32 $0x800  }
0x1b: {  	[tilespmem:s11], [sflag:$0x1] =	stream.linear.gather [hbm4b:s12+s2], $0x800, $0x38;
	[tilespmem:$0x11800] =	vst v63  }
0x1c: {  	_ =	swait.ge [sflag:s24], $0x800  }
0x1d: {  	[sflag:s24] =	ssyncset.done $0x0  }
0x1e: {  	[sflag:s24] =	ssyncadd.s32 $0xFFFFF800  }
0x1f: {  	_ =	swait.ge [sflag:s24], $0x800  }
0x20: {  	[sflag:s24] =	ssyncset.done $0x0  }
0x21: {  	s10 =	simm.s32 $0x0;
	[sflag:s24] =	ssyncadd.s32 $0xFFFFF800  }
0x22: {  	v0 =	vld [tilespmem:s10+$0x0]  }
0x23: {  	s11 =	simm.s32 $0x40;
	v1 =	vld [tilespmem:s10+$0x800]  }
.LBB2_2:
0x24: {  	p0 =	sne.s32 s11, $0x1FC0  }
.Ltmp0:
0x25: {  	_ = 	snop;
	(pc) =	sbr.rel @p0 .LBB2_2-.Ltmp0, $4  }
0x26: {  	_ = 	snop  }
0x27: {  	s12 =	sshra.s32 s11, $0x2;
	s11 =	sadd.s32 $0x40, s11;
	v2 =	vshll.u32 v0, $0x6  }
0x28: {  	v0 =	vld [tilespmem:s12+$0x0];
	v2 =	vadd.s32 v1, v2  }
0x29: {  	v1 =	vld [tilespmem:s12+$0x800];
	[tilespmem:s10+$0x1000] =	vst v2;
	s10 =	smov.u32 s12  }
0x2a: {  	_ =	sdelay $0x2  }
0x2b: {  	v0 =	vshll.u32 v0, $0x6  }
0x2c: {  	v0 =	vadd.s32 v1, v0  }
0x2d: {  	s11 =	simm.s32 $0x1000;
	[tilespmem:s10+$0x1000] =	vst v0  }
0x2e: {  	[tilespmem:s28], [sflag:$0x2] =	stream.indirect.gather [hbm4b:s3+s25], $0x80, s11, s25, $0xb8;
	[tilespmem:$0x11800] =	vst v63  }
0x2f: {  	s12 =	simm.s32 $0x1080  }
0x30: {  	[tilespmem:s30], [sflag:$0x3] =	stream.indirect.gather [hbm4b:s3+s25], $0x80, s12, s25, $0xb8;
	[tilespmem:$0x11800] =	vst v63  }
0x31: {  	s11 =	simm.s32 $0x1100  }
0x32: {  	[tilespmem:s0], [sflag:$0x4] =	stream.indirect.gather [hbm4b:s3+s25], $0x80, s11, s25, $0xb8;
	[tilespmem:$0x11800] =	vst v63  }
0x33: {  	_ =	swait.ge [sflag:s1], $0x4000  }
0x34: {  	[sflag:s1] =	ssyncset.done $0x0  }
0x35: {  	[sflag:s1] =	ssyncadd.s32 $0xFFFFC000  }
0x36: {  	[hbm4b:s6+s2] =	stream.linear.scatter [tilespmem:s28], [sflag:$0x6], $0x4000, $0x38;
	[tilespmem:$0x11800] =	vst v63  }
0x37: {  	s12 =	simm.s32 $0x1180  }
0x38: {  	[tilespmem:s26], [sflag:$0x5] =	stream.indirect.gather [hbm4b:s3+s25], $0x80, s12, s25, $0xb8;
	[tilespmem:$0x11800] =	vst v63  }
0x39: {  	_ =	swait.ge [sflag:s29], $0x4000  }
0x3a: {  	[sflag:s29] =	ssyncset.done $0x0  }
0x3b: {  	s11 =	rddreg [dreg:$0x8];
	[sflag:s29] =	ssyncadd.s32 $0xFFFFC000  }
0x3c: {  	[hbm4b:s11+s2] =	stream.linear.scatter [tilespmem:s30], [sflag:$0x7], $0x4000, $0x38;
	[tilespmem:$0x11800] =	vst v63  }
0x3d: {  	_ =	swait.ge [sflag:s31], $0x4000  }
0x3e: {  	[sflag:s31] =	ssyncset.done $0x0  }
0x3f: {  	s12 =	simm.s32 $0x1200;
	[sflag:s31] =	ssyncadd.s32 $0xFFFFC000  }
0x40: {  	[tilespmem:s28], [sflag:$0x2] =	stream.indirect.gather [hbm4b:s3+s25], $0x80, s12, s25, $0xb8;
	[tilespmem:$0x11800] =	vst v63  }
0x41: {  	_ =	swait.ge [sflag:s23], $0x4000  }
0x42: {  	[sflag:s23] =	ssyncset.done $0x0  }
0x43: {  	s11 =	rddreg [dreg:$0x9];
	[sflag:s23] =	ssyncadd.s32 $0xFFFFC000  }
0x44: {  	[hbm4b:s11+s2] =	stream.linear.scatter [tilespmem:s0], [sflag:$0x8], $0x4000, $0x38;
	[tilespmem:$0x11800] =	vst v63  }
0x45: {  	_ =	swait.ge [sflag:s4], $0x4000  }
0x46: {  	[sflag:s4] =	ssyncset.done $0x0  }
0x47: {  	s12 =	simm.s32 $0x1280;
	[sflag:s4] =	ssyncadd.s32 $0xFFFFC000  }
0x48: {  	[tilespmem:s30], [sflag:$0x3] =	stream.indirect.gather [hbm4b:s3+s25], $0x80, s12, s25, $0xb8;
	[tilespmem:$0x11800] =	vst v63  }
0x49: {  	_ =	swait.ge [sflag:s5], $0x4000  }
0x4a: {  	[sflag:s5] =	ssyncset.done $0x0  }
0x4b: {  	s11 =	rddreg [dreg:$0xa];
	[sflag:s5] =	ssyncadd.s32 $0xFFFFC000  }
0x4c: {  	[hbm4b:s11+s2] =	stream.linear.scatter [tilespmem:s26], [sflag:$0x9], $0x4000, $0x38;
	[tilespmem:$0x11800] =	vst v63  }
0x4d: {  	_ =	swait.ge [sflag:s7], $0x4000  }
0x4e: {  	[sflag:s7] =	ssyncset.done $0x0  }
0x4f: {  	s12 =	simm.s32 $0x1300;
	[sflag:s7] =	ssyncadd.s32 $0xFFFFC000  }
0x50: {  	[tilespmem:s0], [sflag:$0x4] =	stream.indirect.gather [hbm4b:s3+s25], $0x80, s12, s25, $0xb8;
	[tilespmem:$0x11800] =	vst v63  }
0x51: {  	_ =	swait.ge [sflag:s1], $0x4000  }
0x52: {  	[sflag:s1] =	ssyncset.done $0x0  }
0x53: {  	s11 =	rddreg [dreg:$0xb];
	[sflag:s1] =	ssyncadd.s32 $0xFFFFC000  }
0x54: {  	[hbm4b:s11+s2] =	stream.linear.scatter [tilespmem:s28], [sflag:$0x6], $0x4000, $0x38;
	[tilespmem:$0x11800] =	vst v63  }
0x55: {  	_ =	swait.ge [sflag:s8], $0x4000  }
0x56: {  	[sflag:s8] =	ssyncset.done $0x0  }
0x57: {  	s12 =	simm.s32 $0x1380;
	[sflag:s8] =	ssyncadd.s32 $0xFFFFC000  }
0x58: {  	[tilespmem:s26], [sflag:$0x5] =	stream.indirect.gather [hbm4b:s3+s25], $0x80, s12, s25, $0xb8;
	[tilespmem:$0x11800] =	vst v63  }
0x59: {  	_ =	swait.ge [sflag:s29], $0x4000  }
0x5a: {  	[sflag:s29] =	ssyncset.done $0x0  }
0x5b: {  	s11 =	rddreg [dreg:$0xc];
	[sflag:s29] =	ssyncadd.s32 $0xFFFFC000  }
0x5c: {  	[hbm4b:s11+s2] =	stream.linear.scatter [tilespmem:s30], [sflag:$0x7], $0x4000, $0x38;
	[tilespmem:$0x11800] =	vst v63  }
0x5d: {  	_ =	swait.ge [sflag:s31], $0x4000  }
0x5e: {  	[sflag:s31] =	ssyncset.done $0x0  }
0x5f: {  	s12 =	simm.s32 $0x1400;
	[sflag:s31] =	ssyncadd.s32 $0xFFFFC000  }
0x60: {  	[tilespmem:s28], [sflag:$0x2] =	stream.indirect.gather [hbm4b:s3+s25], $0x80, s12, s25, $0xb8;
	[tilespmem:$0x11800] =	vst v63  }
0x61: {  	_ =	swait.ge [sflag:s23], $0x4000  }
0x62: {  	[sflag:s23] =	ssyncset.done $0x0  }
0x63: {  	[sflag:s23] =	ssyncadd.s32 $0xFFFFC000  }
0x64: {  	[hbm4b:s13+s2] =	stream.linear.scatter [tilespmem:s0], [sflag:$0x8], $0x4000, $0x38;
	[tilespmem:$0x11800] =	vst v63  }
0x65: {  	_ =	swait.ge [sflag:s4], $0x4000  }
0x66: {  	[sflag:s4] =	ssyncset.done $0x0  }
0x67: {  	s11 =	simm.s32 $0x1480;
	[sflag:s4] =	ssyncadd.s32 $0xFFFFC000  }
0x68: {  	[tilespmem:s30], [sflag:$0x3] =	stream.indirect.gather [hbm4b:s3+s25], $0x80, s11, s25, $0xb8;
	[tilespmem:$0x11800] =	vst v63  }
0x69: {  	_ =	swait.ge [sflag:s5], $0x4000  }
0x6a: {  	[sflag:s5] =	ssyncset.done $0x0  }
0x6b: {  	[sflag:s5] =	ssyncadd.s32 $0xFFFFC000  }
0x6c: {  	[hbm4b:s14+s2] =	stream.linear.scatter [tilespmem:s26], [sflag:$0x9], $0x4000, $0x38;
	[tilespmem:$0x11800] =	vst v63  }
0x6d: {  	_ =	swait.ge [sflag:s7], $0x4000  }
0x6e: {  	[sflag:s7] =	ssyncset.done $0x0  }
0x6f: {  	s12 =	simm.s32 $0x1500;
	[sflag:s7] =	ssyncadd.s32 $0xFFFFC000  }
0x70: {  	[tilespmem:s0], [sflag:$0x4] =	stream.indirect.gather [hbm4b:s3+s25], $0x80, s12, s25, $0xb8;
	[tilespmem:$0x11800] =	vst v63  }
0x71: {  	_ =	swait.ge [sflag:s1], $0x4000  }
0x72: {  	[sflag:s1] =	ssyncset.done $0x0  }
0x73: {  	[sflag:s1] =	ssyncadd.s32 $0xFFFFC000  }
0x74: {  	[hbm4b:s15+s2] =	stream.linear.scatter [tilespmem:s28], [sflag:$0x6], $0x4000, $0x38;
	[tilespmem:$0x11800] =	vst v63  }
0x75: {  	_ =	swait.ge [sflag:s8], $0x4000  }
0x76: {  	[sflag:s8] =	ssyncset.done $0x0  }
0x77: {  	s11 =	simm.s32 $0x1580;
	[sflag:s8] =	ssyncadd.s32 $0xFFFFC000  }
0x78: {  	[tilespmem:s26], [sflag:$0x5] =	stream.indirect.gather [hbm4b:s3+s25], $0x80, s11, s25, $0xb8;
	[tilespmem:$0x11800] =	vst v63  }
0x79: {  	_ =	swait.ge [sflag:s29], $0x4000  }
0x7a: {  	[sflag:s29] =	ssyncset.done $0x0  }
0x7b: {  	[sflag:s29] =	ssyncadd.s32 $0xFFFFC000  }
0x7c: {  	[hbm4b:s16+s2] =	stream.linear.scatter [tilespmem:s30], [sflag:$0x7], $0x4000, $0x38;
	[tilespmem:$0x11800] =	vst v63  }
0x7d: {  	_ =	swait.ge [sflag:s31], $0x4000  }
0x7e: {  	[sflag:s31] =	ssyncset.done $0x0  }
0x7f: {  	s12 =	simm.s32 $0x1600;
	[sflag:s31] =	ssyncadd.s32 $0xFFFFC000  }
0x80: {  	[tilespmem:s28], [sflag:$0x2] =	stream.indirect.gather [hbm4b:s3+s25], $0x80, s12, s25, $0xb8;
	[tilespmem:$0x11800] =	vst v63  }
0x81: {  	_ =	swait.ge [sflag:s23], $0x4000  }
0x82: {  	[sflag:s23] =	ssyncset.done $0x0  }
0x83: {  	[sflag:s23] =	ssyncadd.s32 $0xFFFFC000  }
0x84: {  	[hbm4b:s17+s2] =	stream.linear.scatter [tilespmem:s0], [sflag:$0x8], $0x4000, $0x38;
	[tilespmem:$0x11800] =	vst v63  }
0x85: {  	_ =	swait.ge [sflag:s4], $0x4000  }
0x86: {  	[sflag:s4] =	ssyncset.done $0x0  }
0x87: {  	s11 =	simm.s32 $0x1680;
	[sflag:s4] =	ssyncadd.s32 $0xFFFFC000  }
0x88: {  	[tilespmem:s30], [sflag:$0x3] =	stream.indirect.gather [hbm4b:s3+s25], $0x80, s11, s25, $0xb8;
	[tilespmem:$0x11800] =	vst v63  }
0x89: {  	_ =	swait.ge [sflag:s5], $0x4000  }
0x8a: {  	[sflag:s5] =	ssyncset.done $0x0  }
0x8b: {  	[sflag:s5] =	ssyncadd.s32 $0xFFFFC000  }
0x8c: {  	[hbm4b:s18+s2] =	stream.linear.scatter [tilespmem:s26], [sflag:$0x9], $0x4000, $0x38;
	[tilespmem:$0x11800] =	vst v63  }
0x8d: {  	_ =	swait.ge [sflag:s7], $0x4000  }
0x8e: {  	[sflag:s7] =	ssyncset.done $0x0  }
0x8f: {  	s12 =	simm.s32 $0x1700;
	[sflag:s7] =	ssyncadd.s32 $0xFFFFC000  }
0x90: {  	[tilespmem:s0], [sflag:$0x4] =	stream.indirect.gather [hbm4b:s3+s25], $0x80, s12, s25, $0xb8;
	[tilespmem:$0x11800] =	vst v63  }
0x91: {  	_ =	swait.ge [sflag:s1], $0x4000  }
0x92: {  	[sflag:s1] =	ssyncset.done $0x0  }
0x93: {  	[sflag:s1] =	ssyncadd.s32 $0xFFFFC000  }
0x94: {  	[hbm4b:s19+s2] =	stream.linear.scatter [tilespmem:s28], [sflag:$0x6], $0x4000, $0x38;
	[tilespmem:$0x11800] =	vst v63  }
0x95: {  	_ =	swait.ge [sflag:s8], $0x4000  }
0x96: {  	[sflag:s8] =	ssyncset.done $0x0  }
0x97: {  	s11 =	simm.s32 $0x1780;
	[sflag:s8] =	ssyncadd.s32 $0xFFFFC000  }
0x98: {  	[tilespmem:s26], [sflag:$0x5] =	stream.indirect.gather [hbm4b:s3+s25], $0x80, s11, s25, $0xb8;
	[tilespmem:$0x11800] =	vst v63  }
0x99: {  	_ =	swait.ge [sflag:s29], $0x4000  }
0x9a: {  	[sflag:s29] =	ssyncset.done $0x0  }
0x9b: {  	[sflag:s29] =	ssyncadd.s32 $0xFFFFC000  }
0x9c: {  	[hbm4b:s20+s2] =	stream.linear.scatter [tilespmem:s30], [sflag:$0x7], $0x4000, $0x38;
	[tilespmem:$0x11800] =	vst v63  }
0x9d: {  	_ =	swait.ge [sflag:s31], $0x4000  }
0x9e: {  	[sflag:s31] =	ssyncset.done $0x0  }
0x9f: {  	[sflag:s31] =	ssyncadd.s32 $0xFFFFC000  }
0xa0: {  	_ =	swait.ge [sflag:s23], $0x4000  }
0xa1: {  	[sflag:s23] =	ssyncset.done $0x0  }
0xa2: {  	[sflag:s23] =	ssyncadd.s32 $0xFFFFC000  }
0xa3: {  	[hbm4b:s21+s2] =	stream.linear.scatter [tilespmem:s0], [sflag:$0x8], $0x4000, $0x38;
	[tilespmem:$0x11800] =	vst v63  }
0xa4: {  	_ =	swait.ge [sflag:s4], $0x4000  }
0xa5: {  	[sflag:s4] =	ssyncset.done $0x0  }
0xa6: {  	[sflag:s4] =	ssyncadd.s32 $0xFFFFC000  }
0xa7: {  	_ =	swait.ge [sflag:s5], $0x4000  }
0xa8: {  	[sflag:s5] =	ssyncset.done $0x0  }
0xa9: {  	[sflag:s5] =	ssyncadd.s32 $0xFFFFC000  }
0xaa: {  	[hbm4b:s22+s2] =	stream.linear.scatter [tilespmem:s26], [sflag:$0x9], $0x4000, $0x38;
	[tilespmem:$0x11800] =	vst v63  }
0xab: {  	_ =	swait.ge [sflag:s7], $0x4000  }
0xac: {  	[sflag:s7] =	ssyncset.done $0x0  }
0xad: {  	[sflag:s7] =	ssyncadd.s32 $0xFFFFC000  }
0xae: {  	_ =	swait.ge [sflag:s8], $0x4000  }
0xaf: {  	s9 =	sadd.s32 $0x1, s9;
	s12 =	rddreg [dreg:$0x7]  }
0xb0: {  	p0 =	sne.s32 s9, s12  }
.Ltmp1:
0xb1: {  	_ = 	snop;
	(pc) =	sbr.rel @p0 .LBB2_1-.Ltmp1, $3  }
0xb2: {  	_ =	sdelay $0x1  }
0xb3: {  	[sflag:s8] =	ssyncset.done $0x0  }
0xb4: {  	[sflag:s8] =	ssyncadd.s32 $0xFFFFC000  }
0xb5: {  	_ =	sfence.sel $0x180000  }
0xb6: {  	[bflag:$0x0] =	sbarrier.arrive $0xFFFF  }
0xb7: {  	_ =	strace $0x90000047  }
0xb8: {  	s0 =	stileid.u32;
	[bflag:$0x2] =	sbarrier.arrive $0xFFFF  }
0xb9: {  	p0 =	sne.s32 s0, $0x0;
	s0 =	rddreg [dreg:$0x4]  }
0xba: {  	s0 =	sadd.s32 @!p0 $0x100000, s0  }
0xbb: {  	[sflag:s0] =	ssyncadd.tile.s32 @!p0 $0x1;
	_ =	shalt  }
.Lfunc_end2:
_tile_overlayer_lowered:
.L_overlay_start_2:
0xbc: {  	(tag) =	ssettag $0x2  }
0xbd: {  	s0 =	rddreg [dreg:$0x0];
	s2 =	stileid.u32  }
0xbe: {  	s1 =	rddreg [dreg:$0x1];
	p0 =	sne.s32 s2, $0x0  }
0xbf: {  	s3 =	rddreg [dreg:$0x2];
	[bflag:$0x3] =	sbarrier.arrive $0xFFFF;
	s2 =	simm.s32 @!p0 $0x1C0A  }
0xc0: {  	[timem:s3], [sflag:s2] =	dma.local @!p0 [hbm:s0], s1  }
0xc1: {  	s0 =	simm.s32 @!p0 $0xA  }
0xc2: {  	_ =	swait.ge @!p0 [sflag:s0], s1  }
0xc3: {  	s1 =	ssub.s32 @!p0 $0x0, s1;
	[sflag:s0] =	ssyncset.done @!p0 $0x0  }
0xc4: {  	[sflag:s0] =	ssyncadd.s32 @!p0 s1  }
0xc5: {  	[bflag:$0x3] =	sbarrier.arrive $0xFFFF  }
0xc6: {  	_ =	shalt  }

</sc_bundles>
